<compile_context>
chip_gen: v7x
topology: tpu7x:2x2x1
jax: 0.10.2.dev20260603
libtpu: 0.0.44.dev20260713+nightly
codegen_flags: <defaults>
</compile_context>

<pallas_src>
import functools

import jax
import jax.numpy as jnp
from jax import lax
from jax.experimental import pallas as pl
from jax.experimental.pallas import tpu as pltpu
from jax.experimental.pallas import tpu_sc as plsc

N1 = 4096
N2 = 4096
RC_BITS = 12
L = 16
NC = 2
NS = 16
NW = NC * NS
D0 = 8
BIGC = 1 << 30
SENT_RC = (1 << 24) - 1
BREAK_RC = -1
NEGV = -1.0

_TAKE_DNUMS = lax.GatherDimensionNumbers(
    offset_dims=(), collapsed_slice_dims=(0,), start_index_map=(0,))


def _take(x, idx):
  return lax.gather(x, idx[:, None], _TAKE_DNUMS, slice_sizes=(1,),
                    mode=lax.GatherScatterMode.PROMISE_IN_BOUNDS)


def _lex_improves(v_new, rc_new, v_old, rc_old):
  return (v_new > v_old) | ((v_new == v_old) & (rc_new < rc_old))


def _row(rc):
  return lax.shift_right_logical(rc, RC_BITS)


def _sc_partial_body(nvecs, nnz, vals_hbm, rc_hbm, pv_hbm, pc_hbm,
                     vals_v, rc_v, fv, frc, accv, accrc, sem1, sem2):
  wid = lax.axis_index("s") * NC + lax.axis_index("c")
  ch = nvecs * L
  base_a = (nnz - ch) & ~7
  tail_at = base_a + ch
  rem = nnz - tail_at
  is_last = wid == NW - 1
  base = jnp.minimum(wid * ch, base_a)

  vals_v[pl.ds(0, L)] = jnp.full((L,), NEGV, jnp.float32)
  rc_v[pl.ds(0, L)] = jnp.full((L,), SENT_RC, jnp.int32)
  fv[pl.ds(0, L)] = jnp.full((L,), NEGV, jnp.float32)
  frc[pl.ds(0, L)] = jnp.full((L,), SENT_RC, jnp.int32)
  vals_v[pl.ds(D0 + ch, L)] = jnp.full((L,), NEGV, jnp.float32)
  rc_v[pl.ds(D0 + ch, L)] = jnp.full((L,), BREAK_RC, jnp.int32)

  h1 = pltpu.async_copy(vals_hbm.at[pl.ds(base, ch)],
                        vals_v.at[pl.ds(D0, ch)], sem1)
  h2 = pltpu.async_copy(rc_hbm.at[pl.ds(base, ch)],
                        rc_v.at[pl.ds(D0, ch)], sem2)

  if rem:
    @pl.when(is_last)
    def _tail():
      rc_v[pl.ds(D0 + ch, L)] = jnp.full((L,), SENT_RC, jnp.int32)
      vals_v[pl.ds(D0 + ch + L, L)] = jnp.full((L,), NEGV, jnp.float32)
      rc_v[pl.ds(D0 + ch + L, L)] = jnp.full((L,), BREAK_RC, jnp.int32)
      pltpu.sync_copy(vals_hbm.at[pl.ds(tail_at, rem)],
                      vals_v.at[pl.ds(D0 + ch, rem)])
      pltpu.sync_copy(rc_hbm.at[pl.ds(tail_at, rem)],
                      rc_v.at[pl.ds(D0 + ch, rem)])

  def init(j, _):
    accv[pl.ds(j * L, L)] = jnp.full((L,), NEGV, jnp.float32)
    accrc[pl.ds(j * L, L)] = jnp.full((L,), BIGC, jnp.int32)
    return 0

  lax.fori_loop(0, N1 // L, init, 0)
  h1.wait()
  h2.wait()

  iota = lax.iota(jnp.int32, L)
  idxs = [jnp.maximum(iota - d, 0) for d in (4, 8)]

  def scan_vreg(src_v, src_rc, o):
    v = src_v[pl.ds(o, L)]
    rc = src_rc[pl.ds(o, L)]
    r = _row(rc)
    v1 = src_v[pl.ds(o - 1, L)]
    rc1 = src_rc[pl.ds(o - 1, L)]
    v2 = src_v[pl.ds(o - 2, L)]
    rc2 = src_rc[pl.ds(o - 2, L)]
    v3 = src_v[pl.ds(o - 3, L)]
    rc3 = src_rc[pl.ds(o - 3, L)]
    r2 = _row(rc2)
    tk = (_row(rc1) == r) & _lex_improves(v1, rc1, v, rc)
    v = jnp.where(tk, v1, v)
    rc = jnp.where(tk, rc1, rc)
    tk = (_row(rc3) == r2) & _lex_improves(v3, rc3, v2, rc2)
    v2 = jnp.where(tk, v3, v2)
    rc2 = jnp.where(tk, rc3, rc2)
    tk = (r2 == r) & _lex_improves(v2, rc2, v, rc)
    v = jnp.where(tk, v2, v)
    rc = jnp.where(tk, rc2, rc)
    for idx in idxs:
      vd = _take(v, idx)
      rcd = _take(rc, idx)
      tk = (_row(rcd) == r) & _lex_improves(vd, rcd, v, rc)
      v = jnp.where(tk, vd, v)
      rc = jnp.where(tk, rcd, rc)
    last = (_row(src_rc[pl.ds(o + 1, L)]) != r) | (iota == L - 1)
    return v, rc, r, last

  def append_vreg(i, cnt):
    v, rc, _, last = scan_vreg(vals_v, rc_v, D0 + i * L)
    plsc.store_compressed(fv.at[pl.ds(cnt, L)], v, mask=last)
    plsc.store_compressed(frc.at[pl.ds(cnt, L)], rc, mask=last)
    return cnt + jnp.sum(last.astype(jnp.int32))

  cnt = plsc.parallel_loop(
      0, nvecs, carry=jnp.int32(D0), unroll=4)(append_vreg)
  if rem:
    cnt = lax.cond(is_last, lambda: append_vreg(nvecs, cnt), lambda: cnt)

  fv[pl.ds(cnt, L)] = jnp.full((L,), NEGV, jnp.float32)
  frc[pl.ds(cnt, L)] = jnp.full((L,), SENT_RC, jnp.int32)
  fv[pl.ds(cnt + L, L)] = jnp.full((L,), NEGV, jnp.float32)
  frc[pl.ds(cnt + L, L)] = jnp.full((L,), SENT_RC, jnp.int32)

  def merge_vreg(i, _):
    v, rc, r, last = scan_vreg(fv, frc, D0 + i * L)
    av = plsc.load_gather(accv, [r], mask=last)
    arc = plsc.load_gather(accrc, [r], mask=last)
    upd = last & _lex_improves(v, rc, av, arc)
    plsc.store_scatter(accv, [r], v, mask=upd)
    plsc.store_scatter(accrc, [r], rc, mask=upd)
    return 0

  lax.fori_loop(0, (cnt - D0 + L - 1) // L, merge_vreg, 0)

  pltpu.sync_copy(accv, pv_hbm.at[wid])
  pltpu.sync_copy(accrc, pc_hbm.at[wid])


def _tc_combine_body(pv_ref, prc_ref, outv_ref, outc_ref):
  bv = pv_ref[0, :]
  brc = prc_ref[0, :]
  for w in range(1, NW):
    xv = pv_ref[w, :]
    xrc = prc_ref[w, :]
    upd = _lex_improves(xv, xrc, bv, brc)
    bv = jnp.where(upd, xv, bv)
    brc = jnp.where(upd, xrc, brc)
  outv_ref[:] = jnp.maximum(bv, 0.0)
  outc_ref[:] = jnp.where(bv > 0.0, brc & (N2 - 1), 0)


@jax.jit
def kernel(sim_values, sim_rows, sim_cols):
  nnz = sim_values.shape[0]
  nvecs = -(-nnz // (NW * L))
  rc = lax.shift_left(sim_rows.astype(jnp.int32), RC_BITS) | (
      sim_cols.astype(jnp.int32))

  mesh = plsc.VectorSubcoreMesh(
      core_axis_name="c", subcore_axis_name="s", num_cores=NC,
      num_subcores=NS)

  ch = nvecs * L
  partial = pl.kernel(
      functools.partial(_sc_partial_body, nvecs, nnz),
      compiler_params=pltpu.CompilerParams(needs_layout_passes=False),
      out_type=(
          jax.ShapeDtypeStruct((NW, N1), jnp.float32),
          jax.ShapeDtypeStruct((NW, N1), jnp.int32),
      ),
      mesh=mesh,
      scratch_types=[
          pltpu.VMEM((D0 + ch + 2 * L,), jnp.float32),
          pltpu.VMEM((D0 + ch + 2 * L,), jnp.int32),
          pltpu.VMEM((D0 + ch + 2 * L,), jnp.float32),
          pltpu.VMEM((D0 + ch + 2 * L,), jnp.int32),
          pltpu.VMEM((N1,), jnp.float32),
          pltpu.VMEM((N1,), jnp.int32),
          pltpu.SemaphoreType.DMA,
          pltpu.SemaphoreType.DMA,
      ],
  )
  pv, prc = partial(sim_values, rc)

  scores, indices = pl.pallas_call(
      _tc_combine_body,
      out_shape=(
          jax.ShapeDtypeStruct((N1,), jnp.float32),
          jax.ShapeDtypeStruct((N1,), jnp.int32),
      ),
  )(pv, prc)
  return scores, indices

# --- scband reference (transcript-rebuilt; emitter-appended) ---
"""Pipeline reference for scband-cluster-eamodule-20504173871512 (READ-ONLY COPY).

The authoritative reference and input builder live on the scoring server;
editing this copy changes nothing except your own understanding.
"""

import jax, jax.numpy as jnp
import numpy as np

N1 = 4096
N2 = 4096
NNZ = 167772

def setup_inputs(seed: int = 0) -> dict:
    key = jax.random.key(seed)
    k1, k2, k3 = jax.random.split(key, 3)
    sim_values = jax.random.uniform(k1, (NNZ,), dtype=jnp.float32)
    sim_rows = jnp.sort(jax.random.randint(k2, (NNZ,), 0, N1))
    sim_cols = jax.random.randint(k3, (NNZ,), 0, N2)
    return {"sim_values": sim_values, "sim_rows": sim_rows, "sim_cols": sim_cols}

def reference(sim_values, sim_rows, sim_cols):
    # Faithful translation of ClusterEAModule.__alignments_from_sim_matrix:
    # a sparse COO similarity matrix is densified block-by-block and top-1
    # (score, index) is taken per source row. Densifying the whole matrix at
    # once is mathematically identical to the batched loop over 512-row blocks.
    dense = jnp.zeros((N1, N2), dtype=sim_values.dtype)
    # scatter (max combine handles any duplicate coordinates deterministically;
    # coalesced sparse tensors have unique coords so this equals overwrite)
    dense = dense.at[sim_rows, sim_cols].max(sim_values)
    # topk(1) per row == (max, argmax) per row; rows with no nnz yield (0.0, 0)
    top1_scores = jnp.max(dense, axis=1)
    top1_indices = jnp.argmax(dense, axis=1)
    return top1_scores, top1_indices

if __name__ == "__main__":
    import jax
    _d = setup_inputs()
    print(jax.jit(kernel)(*tuple(_d.values())))

</pallas_src>

<mosaic_0001>
#map = affine_map<(d0, d1) -> (0)>
#map1 = affine_map<(d0, d1) -> (0, 0)>
module attributes {stable_mosaic.version = 14 : i64} {
  func.func @_sc_partial_body(%arg0: i32, %arg1: i32, %arg2: memref<167772xf32, #tpu.memory_space<hbm>>, %arg3: memref<167772xi32, #tpu.memory_space<hbm>>, %arg4: memref<32x4096xf32, #tpu.memory_space<hbm>>, %arg5: memref<32x4096xi32, #tpu.memory_space<hbm>>, %arg6: memref<5288xf32, #tpu.memory_space<vmem>>, %arg7: memref<5288xi32, #tpu.memory_space<vmem>>, %arg8: memref<5288xf32, #tpu.memory_space<vmem>>, %arg9: memref<5288xi32, #tpu.memory_space<vmem>>, %arg10: memref<4096xf32, #tpu.memory_space<vmem>>, %arg11: memref<4096xi32, #tpu.memory_space<vmem>>, %arg12: memref<!tpu.dma_semaphore, #tpu.memory_space<semaphore_mem>>, %arg13: memref<!tpu.dma_semaphore, #tpu.memory_space<semaphore_mem>>) attributes {dimension_semantics = [#tpu.dimension_semantics<core_parallel>, #tpu.dimension_semantics<subcore_parallel>], iteration_bounds = array<i64: 2, 16>, scalar_prefetch = 0 : i64, scratch_operands = 8 : i64, tpu.core_type = #tpu.core_type<sc_vector_subcore>, window_params = [{transform_indices = #map}, {transform_indices = #map}, {transform_indices = #map1}, {transform_indices = #map1}]} {
    %mul3A = arith.constant 2 : i32
    %mul3A_0 = arith.muli %arg1, %mul3A : i32
    %add3A = arith.addi %mul3A_0, %arg0 : i32
    %eq3A = arith.constant 31 : i32
    %eq3A_1 = arith.cmpi eq, %add3A, %eq3A : i32
    %mul3A_2 = arith.constant 5248 : i32
    %mul3A_3 = arith.muli %add3A, %mul3A_2 : i32
    %min3A = arith.constant 162520 : i32
    %min3A_4 = arith.minsi %mul3A_3, %min3A : i32
    %broadcast_in_dim3A = arith.constant -1.000000e+00 : f32
    %broadcast_in_dim3A_5 = vector.broadcast %broadcast_in_dim3A : f32 to vector<16xf32>
    %swap3A = arith.constant 0 : index
    %swap3A_6 = tpu.vector_load %arg6[%swap3A] {strides = array<i32>} : memref<5288xf32, #tpu.memory_space<vmem>>, vector<16xf32>,
    tpu.vector_store %arg6[%swap3A], %broadcast_in_dim3A_5 {strides = array<i32>} : memref<5288xf32, #tpu.memory_space<vmem>>, vector<16xf32>,
    %broadcast_in_dim3A_7 = arith.constant 16777215 : i32
    %broadcast_in_dim3A_8 = vector.broadcast %broadcast_in_dim3A_7 : i32 to vector<16xi32>
    %swap3A_9 = arith.constant 0 : index
    %swap3A_10 = tpu.vector_load %arg7[%swap3A_9] {strides = array<i32>} : memref<5288xi32, #tpu.memory_space<vmem>>, vector<16xi32>,
    tpu.vector_store %arg7[%swap3A_9], %broadcast_in_dim3A_8 {strides = array<i32>} : memref<5288xi32, #tpu.memory_space<vmem>>, vector<16xi32>,
    %broadcast_in_dim3A_11 = arith.constant -1.000000e+00 : f32
    %broadcast_in_dim3A_12 = vector.broadcast %broadcast_in_dim3A_11 : f32 to vector<16xf32>
    %swap3A_13 = arith.constant 0 : index
    %swap3A_14 = tpu.vector_load %arg8[%swap3A_13] {strides = array<i32>} : memref<5288xf32, #tpu.memory_space<vmem>>, vector<16xf32>,
    tpu.vector_store %arg8[%swap3A_13], %broadcast_in_dim3A_12 {strides = array<i32>} : memref<5288xf32, #tpu.memory_space<vmem>>, vector<16xf32>,
    %broadcast_in_dim3A_15 = arith.constant 16777215 : i32
    %broadcast_in_dim3A_16 = vector.broadcast %broadcast_in_dim3A_15 : i32 to vector<16xi32>
    %swap3A_17 = arith.constant 0 : index
    %swap3A_18 = tpu.vector_load %arg9[%swap3A_17] {strides = array<i32>} : memref<5288xi32, #tpu.memory_space<vmem>>, vector<16xi32>,
    tpu.vector_store %arg9[%swap3A_17], %broadcast_in_dim3A_16 {strides = array<i32>} : memref<5288xi32, #tpu.memory_space<vmem>>, vector<16xi32>,
    %broadcast_in_dim3A_19 = arith.constant -1.000000e+00 : f32
    %broadcast_in_dim3A_20 = vector.broadcast %broadcast_in_dim3A_19 : f32 to vector<16xf32>
    %swap3A_21 = arith.constant 5256 : index
    %swap3A_22 = tpu.vector_load %arg6[%swap3A_21] {strides = array<i32>} : memref<5288xf32, #tpu.memory_space<vmem>>, vector<16xf32>,
    tpu.vector_store %arg6[%swap3A_21], %broadcast_in_dim3A_20 {strides = array<i32>} : memref<5288xf32, #tpu.memory_space<vmem>>, vector<16xf32>,
    %broadcast_in_dim3A_23 = arith.constant -1 : i32
    %broadcast_in_dim3A_24 = vector.broadcast %broadcast_in_dim3A_23 : i32 to vector<16xi32>
    %swap3A_25 = arith.constant 5256 : index
    %swap3A_26 = tpu.vector_load %arg7[%swap3A_25] {strides = array<i32>} : memref<5288xi32, #tpu.memory_space<vmem>>, vector<16xi32>,
    tpu.vector_store %arg7[%swap3A_25], %broadcast_in_dim3A_24 {strides = array<i32>} : memref<5288xi32, #tpu.memory_space<vmem>>, vector<16xi32>,
    %dma_start3A = arith.constant 8 : i32
    %dma_start3A_27 = tpu.memref_slice %arg6[%dma_start3A] : memref<5288xf32, #tpu.memory_space<vmem>> -> memref<5248xf32, #tpu.memory_space<vmem>>
    %dma_start3A_28 = tpu.memref_slice %arg2[%min3A_4] : memref<167772xf32, #tpu.memory_space<hbm>> -> memref<5248xf32, #tpu.memory_space<hbm>>
    %dma_start3A_29 = arith.constant 8 : i32
    %dma_start3A_30 = tpu.memref_slice %arg6[%dma_start3A_29] : memref<5288xf32, #tpu.memory_space<vmem>> -> memref<5248xf32, #tpu.memory_space<vmem>>
    %dma_start3A_31 = tpu.memref_slice %arg2[%min3A_4] : memref<167772xf32, #tpu.memory_space<hbm>> -> memref<5248xf32, #tpu.memory_space<hbm>>
    tpu.enqueue_dma source(%dma_start3A_31 : memref<5248xf32, #tpu.memory_space<hbm>>) target(%dma_start3A_30 : memref<5248xf32, #tpu.memory_space<vmem>>) target_semaphore(%arg12 : memref<!tpu.dma_semaphore, #tpu.memory_space<semaphore_mem>>)
    %dma_start3A_32 = arith.constant 8 : i32
    %dma_start3A_33 = tpu.memref_slice %arg7[%dma_start3A_32] : memref<5288xi32, #tpu.memory_space<vmem>> -> memref<5248xi32, #tpu.memory_space<vmem>>
    %dma_start3A_34 = tpu.memref_slice %arg3[%min3A_4] : memref<167772xi32, #tpu.memory_space<hbm>> -> memref<5248xi32, #tpu.memory_space<hbm>>
    %dma_start3A_35 = arith.constant 8 : i32
    %dma_start3A_36 = tpu.memref_slice %arg7[%dma_start3A_35] : memref<5288xi32, #tpu.memory_space<vmem>> -> memref<5248xi32, #tpu.memory_space<vmem>>
    %dma_start3A_37 = tpu.memref_slice %arg3[%min3A_4] : memref<167772xi32, #tpu.memory_space<hbm>> -> memref<5248xi32, #tpu.memory_space<hbm>>
    tpu.enqueue_dma source(%dma_start3A_37 : memref<5248xi32, #tpu.memory_space<hbm>>) target(%dma_start3A_36 : memref<5248xi32, #tpu.memory_space<vmem>>) target_semaphore(%arg13 : memref<!tpu.dma_semaphore, #tpu.memory_space<semaphore_mem>>)
    %convert_element_type3A = arith.extui %eq3A_1 : i1 to i32
    %cond3A = arith.constant 0 : i32
    %cond3A_38 = arith.cmpi ne, %convert_element_type3A, %cond3A : i32
    scf.if %cond3A_38 {
      %broadcast_in_dim3A_128 = arith.constant 16777215 : i32
      %broadcast_in_dim3A_129 = vector.broadcast %broadcast_in_dim3A_128 : i32 to vector<16xi32>
      %swap3A_130 = arith.constant 5256 : index
      %swap3A_131 = tpu.vector_load %arg7[%swap3A_130] {strides = array<i32>} : memref<5288xi32, #tpu.memory_space<vmem>>, vector<16xi32>,
      tpu.vector_store %arg7[%swap3A_130], %broadcast_in_dim3A_129 {strides = array<i32>} : memref<5288xi32, #tpu.memory_space<vmem>>, vector<16xi32>,
      %broadcast_in_dim3A_132 = arith.constant -1.000000e+00 : f32
      %broadcast_in_dim3A_133 = vector.broadcast %broadcast_in_dim3A_132 : f32 to vector<16xf32>
      %swap3A_134 = arith.constant 5272 : index
      %swap3A_135 = tpu.vector_load %arg6[%swap3A_134] {strides = array<i32>} : memref<5288xf32, #tpu.memory_space<vmem>>, vector<16xf32>,
      tpu.vector_store %arg6[%swap3A_134], %broadcast_in_dim3A_133 {strides = array<i32>} : memref<5288xf32, #tpu.memory_space<vmem>>, vector<16xf32>,
      %broadcast_in_dim3A_136 = arith.constant -1 : i32
      %broadcast_in_dim3A_137 = vector.broadcast %broadcast_in_dim3A_136 : i32 to vector<16xi32>
      %swap3A_138 = arith.constant 5272 : index
      %swap3A_139 = tpu.vector_load %arg7[%swap3A_138] {strides = array<i32>} : memref<5288xi32, #tpu.memory_space<vmem>>, vector<16xi32>,
      tpu.vector_store %arg7[%swap3A_138], %broadcast_in_dim3A_137 {strides = array<i32>} : memref<5288xi32, #tpu.memory_space<vmem>>, vector<16xi32>,
      "tpu.region"() ({
        %run_scoped3A = tpu.sem_alloc : memref<!tpu.dma_semaphore, #tpu.memory_space<semaphore_mem>>
        %dma_start3A_140 = arith.constant 5256 : i32
        %dma_start3A_141 = tpu.memref_slice %arg6[%dma_start3A_140] : memref<5288xf32, #tpu.memory_space<vmem>> -> memref<4xf32, #tpu.memory_space<vmem>>
        %dma_start3A_142 = arith.constant 167768 : i32
        %dma_start3A_143 = tpu.memref_slice %arg2[%dma_start3A_142] : memref<167772xf32, #tpu.memory_space<hbm>> -> memref<4xf32, #tpu.memory_space<hbm>>
        %dma_start3A_144 = arith.constant 5256 : i32
        %dma_start3A_145 = tpu.memref_slice %arg6[%dma_start3A_144] : memref<5288xf32, #tpu.memory_space<vmem>> -> memref<4xf32, #tpu.memory_space<vmem>>
        %dma_start3A_146 = arith.constant 167768 : i32
        %dma_start3A_147 = tpu.memref_slice %arg2[%dma_start3A_146] : memref<167772xf32, #tpu.memory_space<hbm>> -> memref<4xf32, #tpu.memory_space<hbm>>
        tpu.enqueue_dma source(%dma_start3A_147 : memref<4xf32, #tpu.memory_space<hbm>>) target(%dma_start3A_145 : memref<4xf32, #tpu.memory_space<vmem>>) target_semaphore(%run_scoped3A : memref<!tpu.dma_semaphore, #tpu.memory_space<semaphore_mem>>)
        %dma_wait3A_148 = arith.constant 5256 : i32
        %dma_wait3A_149 = tpu.memref_slice %arg6[%dma_wait3A_148] : memref<5288xf32, #tpu.memory_space<vmem>> -> memref<4xf32, #tpu.memory_space<vmem>>
        %dma_wait3A_150 = arith.constant 167768 : i32
        %dma_wait3A_151 = tpu.memref_slice %arg2[%dma_wait3A_150] : memref<167772xf32, #tpu.memory_space<hbm>> -> memref<4xf32, #tpu.memory_space<hbm>>
        %dma_wait3A_152 = arith.constant 5256 : i32
        %dma_wait3A_153 = tpu.memref_slice %arg6[%dma_wait3A_152] : memref<5288xf32, #tpu.memory_space<vmem>> -> memref<4xf32, #tpu.memory_space<vmem>>
        %dma_wait3A_154 = arith.constant 167768 : i32
        %dma_wait3A_155 = tpu.memref_slice %arg2[%dma_wait3A_154] : memref<167772xf32, #tpu.memory_space<hbm>> -> memref<4xf32, #tpu.memory_space<hbm>>
        tpu.wait_dma2 semaphore(%run_scoped3A : memref<!tpu.dma_semaphore, #tpu.memory_space<semaphore_mem>>) src(%dma_wait3A_155 : memref<4xf32, #tpu.memory_space<hbm>>) dst(%dma_wait3A_153 : memref<4xf32, #tpu.memory_space<vmem>>)
        tpu.yield
      }) : () -> ()
      "tpu.region"() ({
        %run_scoped3A = tpu.sem_alloc : memref<!tpu.dma_semaphore, #tpu.memory_space<semaphore_mem>>
        %dma_start3A_140 = arith.constant 5256 : i32
        %dma_start3A_141 = tpu.memref_slice %arg7[%dma_start3A_140] : memref<5288xi32, #tpu.memory_space<vmem>> -> memref<4xi32, #tpu.memory_space<vmem>>
        %dma_start3A_142 = arith.constant 167768 : i32
        %dma_start3A_143 = tpu.memref_slice %arg3[%dma_start3A_142] : memref<167772xi32, #tpu.memory_space<hbm>> -> memref<4xi32, #tpu.memory_space<hbm>>
        %dma_start3A_144 = arith.constant 5256 : i32
        %dma_start3A_145 = tpu.memref_slice %arg7[%dma_start3A_144] : memref<5288xi32, #tpu.memory_space<vmem>> -> memref<4xi32, #tpu.memory_space<vmem>>
        %dma_start3A_146 = arith.constant 167768 : i32
        %dma_start3A_147 = tpu.memref_slice %arg3[%dma_start3A_146] : memref<167772xi32, #tpu.memory_space<hbm>> -> memref<4xi32, #tpu.memory_space<hbm>>
        tpu.enqueue_dma source(%dma_start3A_147 : memref<4xi32, #tpu.memory_space<hbm>>) target(%dma_start3A_145 : memref<4xi32, #tpu.memory_space<vmem>>) target_semaphore(%run_scoped3A : memref<!tpu.dma_semaphore, #tpu.memory_space<semaphore_mem>>)
        %dma_wait3A_148 = arith.constant 5256 : i32
        %dma_wait3A_149 = tpu.memref_slice %arg7[%dma_wait3A_148] : memref<5288xi32, #tpu.memory_space<vmem>> -> memref<4xi32, #tpu.memory_space<vmem>>
        %dma_wait3A_150 = arith.constant 167768 : i32
        %dma_wait3A_151 = tpu.memref_slice %arg3[%dma_wait3A_150] : memref<167772xi32, #tpu.memory_space<hbm>> -> memref<4xi32, #tpu.memory_space<hbm>>
        %dma_wait3A_152 = arith.constant 5256 : i32
        %dma_wait3A_153 = tpu.memref_slice %arg7[%dma_wait3A_152] : memref<5288xi32, #tpu.memory_space<vmem>> -> memref<4xi32, #tpu.memory_space<vmem>>
        %dma_wait3A_154 = arith.constant 167768 : i32
        %dma_wait3A_155 = tpu.memref_slice %arg3[%dma_wait3A_154] : memref<167772xi32, #tpu.memory_space<hbm>> -> memref<4xi32, #tpu.memory_space<hbm>>
        tpu.wait_dma2 semaphore(%run_scoped3A : memref<!tpu.dma_semaphore, #tpu.memory_space<semaphore_mem>>) src(%dma_wait3A_155 : memref<4xi32, #tpu.memory_space<hbm>>) dst(%dma_wait3A_153 : memref<4xi32, #tpu.memory_space<vmem>>)
        tpu.yield
      }) : () -> ()
    } else {
    }
    %scan3A = arith.constant 0 : i32
    %scan3A_39 = arith.constant 0 : i32
    %scan3A_40 = arith.constant 256 : i32
    %scan3A_41 = arith.addi %scan3A_39, %scan3A_40 : i32
    %scan3A_42 = arith.constant 1 : i32
    %scan3A_43 = scf.for %scan3A_128 = %scan3A_39 to %scan3A_41 step %scan3A_42 iter_args(%scan3A_129 = %scan3A) -> (i32)  : i32 {
      %broadcast_in_dim3A_130 = arith.constant -1.000000e+00 : f32
      %broadcast_in_dim3A_131 = vector.broadcast %broadcast_in_dim3A_130 : f32 to vector<16xf32>
      %mul3A_132 = arith.constant 16 : i32
      %mul3A_133 = arith.muli %scan3A_128, %mul3A_132 : i32
      %swap3A_134 = arith.index_cast %mul3A_133 : i32 to index
      %swap3A_135 = tpu.vector_load %arg10[%swap3A_134] {strides = array<i32>} : memref<4096xf32, #tpu.memory_space<vmem>>, vector<16xf32>,
      tpu.vector_store %arg10[%swap3A_134], %broadcast_in_dim3A_131 {strides = array<i32>} : memref<4096xf32, #tpu.memory_space<vmem>>, vector<16xf32>,
      %broadcast_in_dim3A_136 = arith.constant 1073741824 : i32
      %broadcast_in_dim3A_137 = vector.broadcast %broadcast_in_dim3A_136 : i32 to vector<16xi32>
      %mul3A_138 = arith.constant 16 : i32
      %mul3A_139 = arith.muli %scan3A_128, %mul3A_138 : i32
      %swap3A_140 = arith.index_cast %mul3A_139 : i32 to index
      %swap3A_141 = tpu.vector_load %arg11[%swap3A_140] {strides = array<i32>} : memref<4096xi32, #tpu.memory_space<vmem>>, vector<16xi32>,
      tpu.vector_store %arg11[%swap3A_140], %broadcast_in_dim3A_137 {strides = array<i32>} : memref<4096xi32, #tpu.memory_space<vmem>>, vector<16xi32>,
      %scan3A_142 = arith.constant 0 : i32
      scf.yield %scan3A_142 : i32
    }
    %scan3A_44 = arith.constant 256 : i32
    %dma_wait3A = arith.constant 8 : i32
    %dma_wait3A_45 = tpu.memref_slice %arg6[%dma_wait3A] : memref<5288xf32, #tpu.memory_space<vmem>> -> memref<5248xf32, #tpu.memory_space<vmem>>
    %dma_wait3A_46 = tpu.memref_slice %arg2[%min3A_4] : memref<167772xf32, #tpu.memory_space<hbm>> -> memref<5248xf32, #tpu.memory_space<hbm>>
    %dma_wait3A_47 = arith.constant 8 : i32
    %dma_wait3A_48 = tpu.memref_slice %arg6[%dma_wait3A_47] : memref<5288xf32, #tpu.memory_space<vmem>> -> memref<5248xf32, #tpu.memory_space<vmem>>
    %dma_wait3A_49 = tpu.memref_slice %arg2[%min3A_4] : memref<167772xf32, #tpu.memory_space<hbm>> -> memref<5248xf32, #tpu.memory_space<hbm>>
    tpu.wait_dma2 semaphore(%arg12 : memref<!tpu.dma_semaphore, #tpu.memory_space<semaphore_mem>>) src(%dma_wait3A_49 : memref<5248xf32, #tpu.memory_space<hbm>>) dst(%dma_wait3A_48 : memref<5248xf32, #tpu.memory_space<vmem>>)
    %dma_wait3A_50 = arith.constant 8 : i32
    %dma_wait3A_51 = tpu.memref_slice %arg7[%dma_wait3A_50] : memref<5288xi32, #tpu.memory_space<vmem>> -> memref<5248xi32, #tpu.memory_space<vmem>>
    %dma_wait3A_52 = tpu.memref_slice %arg3[%min3A_4] : memref<167772xi32, #tpu.memory_space<hbm>> -> memref<5248xi32, #tpu.memory_space<hbm>>
    %dma_wait3A_53 = arith.constant 8 : i32
    %dma_wait3A_54 = tpu.memref_slice %arg7[%dma_wait3A_53] : memref<5288xi32, #tpu.memory_space<vmem>> -> memref<5248xi32, #tpu.memory_space<vmem>>
    %dma_wait3A_55 = tpu.memref_slice %arg3[%min3A_4] : memref<167772xi32, #tpu.memory_space<hbm>> -> memref<5248xi32, #tpu.memory_space<hbm>>
    tpu.wait_dma2 semaphore(%arg13 : memref<!tpu.dma_semaphore, #tpu.memory_space<semaphore_mem>>) src(%dma_wait3A_55 : memref<5248xi32, #tpu.memory_space<hbm>>) dst(%dma_wait3A_54 : memref<5248xi32, #tpu.memory_space<vmem>>)
    %iota3A = tpu.iota {dimensions = array<i32: 0>} : vector<16xi32>
    %sub3A = arith.constant 4 : i32
    %sub3A_56 = vector.broadcast %sub3A : i32 to vector<16xi32>
    %sub3A_57 = arith.subi %iota3A, %sub3A_56 : vector<16xi32>
    %max3A = arith.constant 0 : i32
    %max3A_58 = vector.broadcast %max3A : i32 to vector<16xi32>
    %max3A_59 = arith.maxsi %sub3A_57, %max3A_58 : vector<16xi32>
    %sub3A_60 = arith.constant 8 : i32
    %sub3A_61 = vector.broadcast %sub3A_60 : i32 to vector<16xi32>
    %sub3A_62 = arith.subi %iota3A, %sub3A_61 : vector<16xi32>
    %max3A_63 = arith.constant 0 : i32
    %max3A_64 = vector.broadcast %max3A_63 : i32 to vector<16xi32>
    %max3A_65 = arith.maxsi %sub3A_62, %max3A_64 : vector<16xi32>
    %parallel_loop3A = arith.constant 0 : i32
    %parallel_loop3A_66 = arith.constant 328 : i32
    %parallel_loop3A_67 = arith.constant 1 : i32
    %parallel_loop3A_68 = arith.constant 8 : i32
    %parallel_loop3A_69 = scf.for %parallel_loop3A_128 = %parallel_loop3A to %parallel_loop3A_66 step %parallel_loop3A_67 iter_args(%parallel_loop3A_129 = %parallel_loop3A_68) -> (i32)  : i32 {
      %parallel_loop3A_130 = arith.constant 16 : i32
      %parallel_loop3A_131 = arith.muli %parallel_loop3A_128, %parallel_loop3A_130 : i32
      %parallel_loop3A_132 = arith.constant 8 : i32
      %parallel_loop3A_133 = arith.addi %parallel_loop3A_132, %parallel_loop3A_131 : i32
      %parallel_loop3A_134 = arith.index_cast %parallel_loop3A_133 : i32 to index
      %parallel_loop3A_135 = tpu.vector_load %arg6[%parallel_loop3A_134] {strides = array<i32>} : memref<5288xf32, #tpu.memory_space<vmem>>, vector<16xf32>,
      %parallel_loop3A_136 = arith.index_cast %parallel_loop3A_133 : i32 to index
      %parallel_loop3A_137 = tpu.vector_load %arg7[%parallel_loop3A_136] {strides = array<i32>} : memref<5288xi32, #tpu.memory_space<vmem>>, vector<16xi32>,
      %parallel_loop3A_138 = arith.constant 12 : i32
      %parallel_loop3A_139 = vector.broadcast %parallel_loop3A_138 : i32 to vector<16xi32>
      %parallel_loop3A_140 = arith.shrui %parallel_loop3A_137, %parallel_loop3A_139 : vector<16xi32>
      %parallel_loop3A_141 = arith.constant 1 : i32
      %parallel_loop3A_142 = arith.subi %parallel_loop3A_133, %parallel_loop3A_141 : i32
      %parallel_loop3A_143 = arith.index_cast %parallel_loop3A_142 : i32 to index
      %parallel_loop3A_144 = tpu.vector_load %arg6[%parallel_loop3A_143] {strides = array<i32>} : memref<5288xf32, #tpu.memory_space<vmem>>, vector<16xf32>,
      %parallel_loop3A_145 = arith.constant 1 : i32
      %parallel_loop3A_146 = arith.subi %parallel_loop3A_133, %parallel_loop3A_145 : i32
      %parallel_loop3A_147 = arith.index_cast %parallel_loop3A_146 : i32 to index
      %parallel_loop3A_148 = tpu.vector_load %arg7[%parallel_loop3A_147] {strides = array<i32>} : memref<5288xi32, #tpu.memory_space<vmem>>, vector<16xi32>,
      %parallel_loop3A_149 = arith.constant 2 : i32
      %parallel_loop3A_150 = arith.subi %parallel_loop3A_133, %parallel_loop3A_149 : i32
      %parallel_loop3A_151 = arith.index_cast %parallel_loop3A_150 : i32 to index
      %parallel_loop3A_152 = tpu.vector_load %arg6[%parallel_loop3A_151] {strides = array<i32>} : memref<5288xf32, #tpu.memory_space<vmem>>, vector<16xf32>,
      %parallel_loop3A_153 = arith.constant 2 : i32
      %parallel_loop3A_154 = arith.subi %parallel_loop3A_133, %parallel_loop3A_153 : i32
      %parallel_loop3A_155 = arith.index_cast %parallel_loop3A_154 : i32 to index
      %parallel_loop3A_156 = tpu.vector_load %arg7[%parallel_loop3A_155] {strides = array<i32>} : memref<5288xi32, #tpu.memory_space<vmem>>, vector<16xi32>,
      %parallel_loop3A_157 = arith.constant 3 : i32
      %parallel_loop3A_158 = arith.subi %parallel_loop3A_133, %parallel_loop3A_157 : i32
      %parallel_loop3A_159 = arith.index_cast %parallel_loop3A_158 : i32 to index
      %parallel_loop3A_160 = tpu.vector_load %arg6[%parallel_loop3A_159] {strides = array<i32>} : memref<5288xf32, #tpu.memory_space<vmem>>, vector<16xf32>,
      %parallel_loop3A_161 = arith.constant 3 : i32
      %parallel_loop3A_162 = arith.subi %parallel_loop3A_133, %parallel_loop3A_161 : i32
      %parallel_loop3A_163 = arith.index_cast %parallel_loop3A_162 : i32 to index
      %parallel_loop3A_164 = tpu.vector_load %arg7[%parallel_loop3A_163] {strides = array<i32>} : memref<5288xi32, #tpu.memory_space<vmem>>, vector<16xi32>,
      %parallel_loop3A_165 = arith.constant 12 : i32
      %parallel_loop3A_166 = vector.broadcast %parallel_loop3A_165 : i32 to vector<16xi32>
      %parallel_loop3A_167 = arith.shrui %parallel_loop3A_156, %parallel_loop3A_166 : vector<16xi32>
      %parallel_loop3A_168 = arith.constant 12 : i32
      %parallel_loop3A_169 = vector.broadcast %parallel_loop3A_168 : i32 to vector<16xi32>
      %parallel_loop3A_170 = arith.shrui %parallel_loop3A_148, %parallel_loop3A_169 : vector<16xi32>
      %parallel_loop3A_171 = arith.cmpi eq, %parallel_loop3A_170, %parallel_loop3A_140 : vector<16xi32>
      %parallel_loop3A_172 = arith.cmpf ogt, %parallel_loop3A_144, %parallel_loop3A_135 : vector<16xf32>
      %parallel_loop3A_173 = arith.cmpf oeq, %parallel_loop3A_144, %parallel_loop3A_135 : vector<16xf32>
      %parallel_loop3A_174 = arith.cmpi slt, %parallel_loop3A_148, %parallel_loop3A_137 : vector<16xi32>
      %parallel_loop3A_175 = arith.andi %parallel_loop3A_173, %parallel_loop3A_174 : vector<16xi1>
      %parallel_loop3A_176 = arith.ori %parallel_loop3A_172, %parallel_loop3A_175 : vector<16xi1>
      %parallel_loop3A_177 = arith.andi %parallel_loop3A_171, %parallel_loop3A_176 : vector<16xi1>
      %parallel_loop3A_178 = arith.select %parallel_loop3A_177, %parallel_loop3A_144, %parallel_loop3A_135 : vector<16xi1>, vector<16xf32>
      %parallel_loop3A_179 = arith.select %parallel_loop3A_177, %parallel_loop3A_148, %parallel_loop3A_137 : vector<16xi1>, vector<16xi32>
      %parallel_loop3A_180 = arith.constant 12 : i32
      %parallel_loop3A_181 = vector.broadcast %parallel_loop3A_180 : i32 to vector<16xi32>
      %parallel_loop3A_182 = arith.shrui %parallel_loop3A_164, %parallel_loop3A_181 : vector<16xi32>
      %parallel_loop3A_183 = arith.cmpi eq, %parallel_loop3A_182, %parallel_loop3A_167 : vector<16xi32>
      %parallel_loop3A_184 = arith.cmpf ogt, %parallel_loop3A_160, %parallel_loop3A_152 : vector<16xf32>
      %parallel_loop3A_185 = arith.cmpf oeq, %parallel_loop3A_160, %parallel_loop3A_152 : vector<16xf32>
      %parallel_loop3A_186 = arith.cmpi slt, %parallel_loop3A_164, %parallel_loop3A_156 : vector<16xi32>
      %parallel_loop3A_187 = arith.andi %parallel_loop3A_185, %parallel_loop3A_186 : vector<16xi1>
      %parallel_loop3A_188 = arith.ori %parallel_loop3A_184, %parallel_loop3A_187 : vector<16xi1>
      %parallel_loop3A_189 = arith.andi %parallel_loop3A_183, %parallel_loop3A_188 : vector<16xi1>
      %parallel_loop3A_190 = arith.select %parallel_loop3A_189, %parallel_loop3A_160, %parallel_loop3A_152 : vector<16xi1>, vector<16xf32>
      %parallel_loop3A_191 = arith.select %parallel_loop3A_189, %parallel_loop3A_164, %parallel_loop3A_156 : vector<16xi1>, vector<16xi32>
      %parallel_loop3A_192 = arith.cmpi eq, %parallel_loop3A_167, %parallel_loop3A_140 : vector<16xi32>
      %parallel_loop3A_193 = arith.cmpf ogt, %parallel_loop3A_190, %parallel_loop3A_178 : vector<16xf32>
      %parallel_loop3A_194 = arith.cmpf oeq, %parallel_loop3A_190, %parallel_loop3A_178 : vector<16xf32>
      %parallel_loop3A_195 = arith.cmpi slt, %parallel_loop3A_191, %parallel_loop3A_179 : vector<16xi32>
      %parallel_loop3A_196 = arith.andi %parallel_loop3A_194, %parallel_loop3A_195 : vector<16xi1>
      %parallel_loop3A_197 = arith.ori %parallel_loop3A_193, %parallel_loop3A_196 : vector<16xi1>
      %parallel_loop3A_198 = arith.andi %parallel_loop3A_192, %parallel_loop3A_197 : vector<16xi1>
      %parallel_loop3A_199 = arith.select %parallel_loop3A_198, %parallel_loop3A_190, %parallel_loop3A_178 : vector<16xi1>, vector<16xf32>
      %parallel_loop3A_200 = arith.select %parallel_loop3A_198, %parallel_loop3A_191, %parallel_loop3A_179 : vector<16xi1>, vector<16xi32>
      %parallel_loop3A_201 = vector.shape_cast %max3A_59 : vector<16xi32> to vector<16x1xi32>
      %parallel_loop3A_202 = vector.shape_cast %parallel_loop3A_201 : vector<16x1xi32> to vector<16xi32>
      %parallel_loop3A_203 = tpu.dynamic_gather %parallel_loop3A_199[%parallel_loop3A_202] in [0] : vector<16xf32>, vector<16xi32> -> vector<16xf32>
      %parallel_loop3A_204 = vector.shape_cast %max3A_59 : vector<16xi32> to vector<16x1xi32>
      %parallel_loop3A_205 = vector.shape_cast %parallel_loop3A_204 : vector<16x1xi32> to vector<16xi32>
      %parallel_loop3A_206 = tpu.dynamic_gather %parallel_loop3A_200[%parallel_loop3A_205] in [0] : vector<16xi32>, vector<16xi32> -> vector<16xi32>
      %parallel_loop3A_207 = arith.constant 12 : i32
      %parallel_loop3A_208 = vector.broadcast %parallel_loop3A_207 : i32 to vector<16xi32>
      %parallel_loop3A_209 = arith.shrui %parallel_loop3A_206, %parallel_loop3A_208 : vector<16xi32>
      %parallel_loop3A_210 = arith.cmpi eq, %parallel_loop3A_209, %parallel_loop3A_140 : vector<16xi32>
      %parallel_loop3A_211 = arith.cmpf ogt, %parallel_loop3A_203, %parallel_loop3A_199 : vector<16xf32>
      %parallel_loop3A_212 = arith.cmpf oeq, %parallel_loop3A_203, %parallel_loop3A_199 : vector<16xf32>
      %parallel_loop3A_213 = arith.cmpi slt, %parallel_loop3A_206, %parallel_loop3A_200 : vector<16xi32>
      %parallel_loop3A_214 = arith.andi %parallel_loop3A_212, %parallel_loop3A_213 : vector<16xi1>
      %parallel_loop3A_215 = arith.ori %parallel_loop3A_211, %parallel_loop3A_214 : vector<16xi1>
      %parallel_loop3A_216 = arith.andi %parallel_loop3A_210, %parallel_loop3A_215 : vector<16xi1>
      %parallel_loop3A_217 = arith.select %parallel_loop3A_216, %parallel_loop3A_203, %parallel_loop3A_199 : vector<16xi1>, vector<16xf32>
      %parallel_loop3A_218 = arith.select %parallel_loop3A_216, %parallel_loop3A_206, %parallel_loop3A_200 : vector<16xi1>, vector<16xi32>
      %parallel_loop3A_219 = vector.shape_cast %max3A_65 : vector<16xi32> to vector<16x1xi32>
      %parallel_loop3A_220 = vector.shape_cast %parallel_loop3A_219 : vector<16x1xi32> to vector<16xi32>
      %parallel_loop3A_221 = tpu.dynamic_gather %parallel_loop3A_217[%parallel_loop3A_220] in [0] : vector<16xf32>, vector<16xi32> -> vector<16xf32>
      %parallel_loop3A_222 = vector.shape_cast %max3A_65 : vector<16xi32> to vector<16x1xi32>
      %parallel_loop3A_223 = vector.shape_cast %parallel_loop3A_222 : vector<16x1xi32> to vector<16xi32>
      %parallel_loop3A_224 = tpu.dynamic_gather %parallel_loop3A_218[%parallel_loop3A_223] in [0] : vector<16xi32>, vector<16xi32> -> vector<16xi32>
      %parallel_loop3A_225 = arith.constant 12 : i32
      %parallel_loop3A_226 = vector.broadcast %parallel_loop3A_225 : i32 to vector<16xi32>
      %parallel_loop3A_227 = arith.shrui %parallel_loop3A_224, %parallel_loop3A_226 : vector<16xi32>
      %parallel_loop3A_228 = arith.cmpi eq, %parallel_loop3A_227, %parallel_loop3A_140 : vector<16xi32>
      %parallel_loop3A_229 = arith.cmpf ogt, %parallel_loop3A_221, %parallel_loop3A_217 : vector<16xf32>
      %parallel_loop3A_230 = arith.cmpf oeq, %parallel_loop3A_221, %parallel_loop3A_217 : vector<16xf32>
      %parallel_loop3A_231 = arith.cmpi slt, %parallel_loop3A_224, %parallel_loop3A_218 : vector<16xi32>
      %parallel_loop3A_232 = arith.andi %parallel_loop3A_230, %parallel_loop3A_231 : vector<16xi1>
      %parallel_loop3A_233 = arith.ori %parallel_loop3A_229, %parallel_loop3A_232 : vector<16xi1>
      %parallel_loop3A_234 = arith.andi %parallel_loop3A_228, %parallel_loop3A_233 : vector<16xi1>
      %parallel_loop3A_235 = arith.select %parallel_loop3A_234, %parallel_loop3A_221, %parallel_loop3A_217 : vector<16xi1>, vector<16xf32>
      %parallel_loop3A_236 = arith.select %parallel_loop3A_234, %parallel_loop3A_224, %parallel_loop3A_218 : vector<16xi1>, vector<16xi32>
      %parallel_loop3A_237 = arith.constant 1 : i32
      %parallel_loop3A_238 = arith.addi %parallel_loop3A_133, %parallel_loop3A_237 : i32
      %parallel_loop3A_239 = arith.index_cast %parallel_loop3A_238 : i32 to index
      %parallel_loop3A_240 = tpu.vector_load %arg7[%parallel_loop3A_239] {strides = array<i32>} : memref<5288xi32, #tpu.memory_space<vmem>>, vector<16xi32>,
      %parallel_loop3A_241 = arith.constant 12 : i32
      %parallel_loop3A_242 = vector.broadcast %parallel_loop3A_241 : i32 to vector<16xi32>
      %parallel_loop3A_243 = arith.shrui %parallel_loop3A_240, %parallel_loop3A_242 : vector<16xi32>
      %parallel_loop3A_244 = arith.cmpi ne, %parallel_loop3A_243, %parallel_loop3A_140 : vector<16xi32>
      %parallel_loop3A_245 = arith.constant 15 : i32
      %parallel_loop3A_246 = vector.broadcast %parallel_loop3A_245 : i32 to vector<16xi32>
      %parallel_loop3A_247 = arith.cmpi eq, %iota3A, %parallel_loop3A_246 : vector<16xi32>
      %parallel_loop3A_248 = arith.ori %parallel_loop3A_244, %parallel_loop3A_247 : vector<16xi1>
      %parallel_loop3A_249 = arith.index_cast %parallel_loop3A_129 : i32 to index
      %parallel_loop3A_250 = tpu.vector_load %arg8[%parallel_loop3A_249] masked %parallel_loop3A_248 {strides = array<i32>} : memref<5288xf32, #tpu.memory_space<vmem>>, vector<16xf32>, vector<16xi1>
      tpu.vector_store %arg8[%parallel_loop3A_249], %parallel_loop3A_235 masked %parallel_loop3A_248 {strides = array<i32>} : memref<5288xf32, #tpu.memory_space<vmem>>, vector<16xf32>, vector<16xi1>
      %parallel_loop3A_251 = arith.index_cast %parallel_loop3A_129 : i32 to index
      %parallel_loop3A_252 = tpu.vector_load %arg9[%parallel_loop3A_251] masked %parallel_loop3A_248 {strides = array<i32>} : memref<5288xi32, #tpu.memory_space<vmem>>, vector<16xi32>, vector<16xi1>
      tpu.vector_store %arg9[%parallel_loop3A_251], %parallel_loop3A_236 masked %parallel_loop3A_248 {strides = array<i32>} : memref<5288xi32, #tpu.memory_space<vmem>>, vector<16xi32>, vector<16xi1>
      %parallel_loop3A_253 = arith.extui %parallel_loop3A_248 : vector<16xi1> to vector<16xi32>
      %parallel_loop3A_254 = arith.constant true
      %parallel_loop3A_255 = vector.broadcast %parallel_loop3A_254 : i1 to vector<16xi1>
      %parallel_loop3A_256 = tpu.scan <sum>, %parallel_loop3A_253 masked %parallel_loop3A_255 : vector<16xi32>, vector<16xi1> -> vector<16xi32>
      %parallel_loop3A_257 = vector.extract %parallel_loop3A_256[15] : i32 from vector<16xi32>
      %parallel_loop3A_258 = arith.addi %parallel_loop3A_129, %parallel_loop3A_257 : i32
      scf.yield %parallel_loop3A_258 : i32
    } {sc.loop_unroll_factor = 4 : i64, sc.parallel_access}
    %convert_element_type3A_70 = arith.extui %eq3A_1 : i1 to i32
    %cond3A_71 = arith.constant 0 : i32
    %cond3A_72 = arith.cmpi ne, %convert_element_type3A_70, %cond3A_71 : i32
    %cond3A_73 = scf.if %cond3A_72 -> (i32) {
      %get3A = arith.constant 5256 : index
      %get3A_128 = tpu.vector_load %arg6[%get3A] {strides = array<i32>} : memref<5288xf32, #tpu.memory_space<vmem>>, vector<16xf32>,
      %get3A_129 = arith.constant 5256 : index
      %get3A_130 = tpu.vector_load %arg7[%get3A_129] {strides = array<i32>} : memref<5288xi32, #tpu.memory_space<vmem>>, vector<16xi32>,
      %shift_right_logical3A = arith.constant 12 : i32
      %shift_right_logical3A_131 = vector.broadcast %shift_right_logical3A : i32 to vector<16xi32>
      %shift_right_logical3A_132 = arith.shrui %get3A_130, %shift_right_logical3A_131 : vector<16xi32>
      %get3A_133 = arith.constant 5255 : index
      %get3A_134 = tpu.vector_load %arg6[%get3A_133] {strides = array<i32>} : memref<5288xf32, #tpu.memory_space<vmem>>, vector<16xf32>,
      %get3A_135 = arith.constant 5255 : index
      %get3A_136 = tpu.vector_load %arg7[%get3A_135] {strides = array<i32>} : memref<5288xi32, #tpu.memory_space<vmem>>, vector<16xi32>,
      %get3A_137 = arith.constant 5254 : index
      %get3A_138 = tpu.vector_load %arg6[%get3A_137] {strides = array<i32>} : memref<5288xf32, #tpu.memory_space<vmem>>, vector<16xf32>,
      %get3A_139 = arith.constant 5254 : index
      %get3A_140 = tpu.vector_load %arg7[%get3A_139] {strides = array<i32>} : memref<5288xi32, #tpu.memory_space<vmem>>, vector<16xi32>,
      %get3A_141 = arith.constant 5253 : index
      %get3A_142 = tpu.vector_load %arg6[%get3A_141] {strides = array<i32>} : memref<5288xf32, #tpu.memory_space<vmem>>, vector<16xf32>,
      %get3A_143 = arith.constant 5253 : index
      %get3A_144 = tpu.vector_load %arg7[%get3A_143] {strides = array<i32>} : memref<5288xi32, #tpu.memory_space<vmem>>, vector<16xi32>,
      %shift_right_logical3A_145 = arith.constant 12 : i32
      %shift_right_logical3A_146 = vector.broadcast %shift_right_logical3A_145 : i32 to vector<16xi32>
      %shift_right_logical3A_147 = arith.shrui %get3A_140, %shift_right_logical3A_146 : vector<16xi32>
      %shift_right_logical3A_148 = arith.constant 12 : i32
      %shift_right_logical3A_149 = vector.broadcast %shift_right_logical3A_148 : i32 to vector<16xi32>
      %shift_right_logical3A_150 = arith.shrui %get3A_136, %shift_right_logical3A_149 : vector<16xi32>
      %eq3A_151 = arith.cmpi eq, %shift_right_logical3A_150, %shift_right_logical3A_132 : vector<16xi32>
      %gt3A = arith.cmpf ogt, %get3A_134, %get3A_128 : vector<16xf32>
      %eq3A_152 = arith.cmpf oeq, %get3A_134, %get3A_128 : vector<16xf32>
      %lt3A = arith.cmpi slt, %get3A_136, %get3A_130 : vector<16xi32>
      %and3A_153 = arith.andi %eq3A_152, %lt3A : vector<16xi1>
      %or3A = arith.ori %gt3A, %and3A_153 : vector<16xi1>
      %and3A_154 = arith.andi %eq3A_151, %or3A : vector<16xi1>
      %select_n3A_155 = arith.select %and3A_154, %get3A_134, %get3A_128 : vector<16xi1>, vector<16xf32>
      %select_n3A_156 = arith.select %and3A_154, %get3A_136, %get3A_130 : vector<16xi1>, vector<16xi32>
      %shift_right_logical3A_157 = arith.constant 12 : i32
      %shift_right_logical3A_158 = vector.broadcast %shift_right_logical3A_157 : i32 to vector<16xi32>
      %shift_right_logical3A_159 = arith.shrui %get3A_144, %shift_right_logical3A_158 : vector<16xi32>
      %eq3A_160 = arith.cmpi eq, %shift_right_logical3A_159, %shift_right_logical3A_147 : vector<16xi32>
      %gt3A_161 = arith.cmpf ogt, %get3A_142, %get3A_138 : vector<16xf32>
      %eq3A_162 = arith.cmpf oeq, %get3A_142, %get3A_138 : vector<16xf32>
      %lt3A_163 = arith.cmpi slt, %get3A_144, %get3A_140 : vector<16xi32>
      %and3A_164 = arith.andi %eq3A_162, %lt3A_163 : vector<16xi1>
      %or3A_165 = arith.ori %gt3A_161, %and3A_164 : vector<16xi1>
      %and3A_166 = arith.andi %eq3A_160, %or3A_165 : vector<16xi1>
      %select_n3A_167 = arith.select %and3A_166, %get3A_142, %get3A_138 : vector<16xi1>, vector<16xf32>
      %select_n3A_168 = arith.select %and3A_166, %get3A_144, %get3A_140 : vector<16xi1>, vector<16xi32>
      %eq3A_169 = arith.cmpi eq, %shift_right_logical3A_147, %shift_right_logical3A_132 : vector<16xi32>
      %gt3A_170 = arith.cmpf ogt, %select_n3A_167, %select_n3A_155 : vector<16xf32>
      %eq3A_171 = arith.cmpf oeq, %select_n3A_167, %select_n3A_155 : vector<16xf32>
      %lt3A_172 = arith.cmpi slt, %select_n3A_168, %select_n3A_156 : vector<16xi32>
      %and3A_173 = arith.andi %eq3A_171, %lt3A_172 : vector<16xi1>
      %or3A_174 = arith.ori %gt3A_170, %and3A_173 : vector<16xi1>
      %and3A_175 = arith.andi %eq3A_169, %or3A_174 : vector<16xi1>
      %select_n3A_176 = arith.select %and3A_175, %select_n3A_167, %select_n3A_155 : vector<16xi1>, vector<16xf32>
      %select_n3A_177 = arith.select %and3A_175, %select_n3A_168, %select_n3A_156 : vector<16xi1>, vector<16xi32>
      %broadcast_in_dim3A_178 = vector.shape_cast %max3A_59 : vector<16xi32> to vector<16x1xi32>
      %gather3A = vector.shape_cast %broadcast_in_dim3A_178 : vector<16x1xi32> to vector<16xi32>
      %gather3A_179 = tpu.dynamic_gather %select_n3A_176[%gather3A] in [0] : vector<16xf32>, vector<16xi32> -> vector<16xf32>
      %broadcast_in_dim3A_180 = vector.shape_cast %max3A_59 : vector<16xi32> to vector<16x1xi32>
      %gather3A_181 = vector.shape_cast %broadcast_in_dim3A_180 : vector<16x1xi32> to vector<16xi32>
      %gather3A_182 = tpu.dynamic_gather %select_n3A_177[%gather3A_181] in [0] : vector<16xi32>, vector<16xi32> -> vector<16xi32>
      %shift_right_logical3A_183 = arith.constant 12 : i32
      %shift_right_logical3A_184 = vector.broadcast %shift_right_logical3A_183 : i32 to vector<16xi32>
      %shift_right_logical3A_185 = arith.shrui %gather3A_182, %shift_right_logical3A_184 : vector<16xi32>
      %eq3A_186 = arith.cmpi eq, %shift_right_logical3A_185, %shift_right_logical3A_132 : vector<16xi32>
      %gt3A_187 = arith.cmpf ogt, %gather3A_179, %select_n3A_176 : vector<16xf32>
      %eq3A_188 = arith.cmpf oeq, %gather3A_179, %select_n3A_176 : vector<16xf32>
      %lt3A_189 = arith.cmpi slt, %gather3A_182, %select_n3A_177 : vector<16xi32>
      %and3A_190 = arith.andi %eq3A_188, %lt3A_189 : vector<16xi1>
      %or3A_191 = arith.ori %gt3A_187, %and3A_190 : vector<16xi1>
      %and3A_192 = arith.andi %eq3A_186, %or3A_191 : vector<16xi1>
      %select_n3A_193 = arith.select %and3A_192, %gather3A_179, %select_n3A_176 : vector<16xi1>, vector<16xf32>
      %select_n3A_194 = arith.select %and3A_192, %gather3A_182, %select_n3A_177 : vector<16xi1>, vector<16xi32>
      %broadcast_in_dim3A_195 = vector.shape_cast %max3A_65 : vector<16xi32> to vector<16x1xi32>
      %gather3A_196 = vector.shape_cast %broadcast_in_dim3A_195 : vector<16x1xi32> to vector<16xi32>
      %gather3A_197 = tpu.dynamic_gather %select_n3A_193[%gather3A_196] in [0] : vector<16xf32>, vector<16xi32> -> vector<16xf32>
      %broadcast_in_dim3A_198 = vector.shape_cast %max3A_65 : vector<16xi32> to vector<16x1xi32>
      %gather3A_199 = vector.shape_cast %broadcast_in_dim3A_198 : vector<16x1xi32> to vector<16xi32>
      %gather3A_200 = tpu.dynamic_gather %select_n3A_194[%gather3A_199] in [0] : vector<16xi32>, vector<16xi32> -> vector<16xi32>
      %shift_right_logical3A_201 = arith.constant 12 : i32
      %shift_right_logical3A_202 = vector.broadcast %shift_right_logical3A_201 : i32 to vector<16xi32>
      %shift_right_logical3A_203 = arith.shrui %gather3A_200, %shift_right_logical3A_202 : vector<16xi32>
      %eq3A_204 = arith.cmpi eq, %shift_right_logical3A_203, %shift_right_logical3A_132 : vector<16xi32>
      %gt3A_205 = arith.cmpf ogt, %gather3A_197, %select_n3A_193 : vector<16xf32>
      %eq3A_206 = arith.cmpf oeq, %gather3A_197, %select_n3A_193 : vector<16xf32>
      %lt3A_207 = arith.cmpi slt, %gather3A_200, %select_n3A_194 : vector<16xi32>
      %and3A_208 = arith.andi %eq3A_206, %lt3A_207 : vector<16xi1>
      %or3A_209 = arith.ori %gt3A_205, %and3A_208 : vector<16xi1>
      %and3A_210 = arith.andi %eq3A_204, %or3A_209 : vector<16xi1>
      %select_n3A_211 = arith.select %and3A_210, %gather3A_197, %select_n3A_193 : vector<16xi1>, vector<16xf32>
      %select_n3A_212 = arith.select %and3A_210, %gather3A_200, %select_n3A_194 : vector<16xi1>, vector<16xi32>
      %get3A_213 = arith.constant 5257 : index
      %get3A_214 = tpu.vector_load %arg7[%get3A_213] {strides = array<i32>} : memref<5288xi32, #tpu.memory_space<vmem>>, vector<16xi32>,
      %shift_right_logical3A_215 = arith.constant 12 : i32
      %shift_right_logical3A_216 = vector.broadcast %shift_right_logical3A_215 : i32 to vector<16xi32>
      %shift_right_logical3A_217 = arith.shrui %get3A_214, %shift_right_logical3A_216 : vector<16xi32>
      %ne3A_218 = arith.cmpi ne, %shift_right_logical3A_217, %shift_right_logical3A_132 : vector<16xi32>
      %eq3A_219 = arith.constant 15 : i32
      %eq3A_220 = vector.broadcast %eq3A_219 : i32 to vector<16xi32>
      %eq3A_221 = arith.cmpi eq, %iota3A, %eq3A_220 : vector<16xi32>
      %or3A_222 = arith.ori %ne3A_218, %eq3A_221 : vector<16xi1>
      %swap3A_223 = arith.index_cast %parallel_loop3A_69 : i32 to index
      %swap3A_224 = tpu.vector_load %arg8[%swap3A_223] masked %or3A_222 {strides = array<i32>} : memref<5288xf32, #tpu.memory_space<vmem>>, vector<16xf32>, vector<16xi1>
      tpu.vector_store %arg8[%swap3A_223], %select_n3A_211 masked %or3A_222 {strides = array<i32>} : memref<5288xf32, #tpu.memory_space<vmem>>, vector<16xf32>, vector<16xi1>
      %swap3A_225 = arith.index_cast %parallel_loop3A_69 : i32 to index
      %swap3A_226 = tpu.vector_load %arg9[%swap3A_225] masked %or3A_222 {strides = array<i32>} : memref<5288xi32, #tpu.memory_space<vmem>>, vector<16xi32>, vector<16xi1>
      tpu.vector_store %arg9[%swap3A_225], %select_n3A_212 masked %or3A_222 {strides = array<i32>} : memref<5288xi32, #tpu.memory_space<vmem>>, vector<16xi32>, vector<16xi1>
      %convert_element_type3A_227 = arith.extui %or3A_222 : vector<16xi1> to vector<16xi32>
      %reduce_sum3A = arith.constant true
      %reduce_sum3A_228 = vector.broadcast %reduce_sum3A : i1 to vector<16xi1>
      %reduce_sum3A_229 = tpu.scan <sum>, %convert_element_type3A_227 masked %reduce_sum3A_228 : vector<16xi32>, vector<16xi1> -> vector<16xi32>
      %reduce_sum3A_230 = vector.extract %reduce_sum3A_229[15] : i32 from vector<16xi32>
      %add3A_231 = arith.addi %parallel_loop3A_69, %reduce_sum3A_230 : i32
      scf.yield %add3A_231 : i32
    } else {
      scf.yield %parallel_loop3A_69 : i32
    }
    %broadcast_in_dim3A_74 = arith.constant -1.000000e+00 : f32
    %broadcast_in_dim3A_75 = vector.broadcast %broadcast_in_dim3A_74 : f32 to vector<16xf32>
    %swap3A_76 = arith.index_cast %cond3A_73 : i32 to index
    %swap3A_77 = tpu.vector_load %arg8[%swap3A_76] {strides = array<i32>} : memref<5288xf32, #tpu.memory_space<vmem>>, vector<16xf32>,
    tpu.vector_store %arg8[%swap3A_76], %broadcast_in_dim3A_75 {strides = array<i32>} : memref<5288xf32, #tpu.memory_space<vmem>>, vector<16xf32>,
    %broadcast_in_dim3A_78 = arith.constant 16777215 : i32
    %broadcast_in_dim3A_79 = vector.broadcast %broadcast_in_dim3A_78 : i32 to vector<16xi32>
    %swap3A_80 = arith.index_cast %cond3A_73 : i32 to index
    %swap3A_81 = tpu.vector_load %arg9[%swap3A_80] {strides = array<i32>} : memref<5288xi32, #tpu.memory_space<vmem>>, vector<16xi32>,
    tpu.vector_store %arg9[%swap3A_80], %broadcast_in_dim3A_79 {strides = array<i32>} : memref<5288xi32, #tpu.memory_space<vmem>>, vector<16xi32>,
    %broadcast_in_dim3A_82 = arith.constant -1.000000e+00 : f32
    %broadcast_in_dim3A_83 = vector.broadcast %broadcast_in_dim3A_82 : f32 to vector<16xf32>
    %add3A_84 = arith.constant 16 : i32
    %add3A_85 = arith.addi %cond3A_73, %add3A_84 : i32
    %swap3A_86 = arith.index_cast %add3A_85 : i32 to index
    %swap3A_87 = tpu.vector_load %arg8[%swap3A_86] {strides = array<i32>} : memref<5288xf32, #tpu.memory_space<vmem>>, vector<16xf32>,
    tpu.vector_store %arg8[%swap3A_86], %broadcast_in_dim3A_83 {strides = array<i32>} : memref<5288xf32, #tpu.memory_space<vmem>>, vector<16xf32>,
    %broadcast_in_dim3A_88 = arith.constant 16777215 : i32
    %broadcast_in_dim3A_89 = vector.broadcast %broadcast_in_dim3A_88 : i32 to vector<16xi32>
    %add3A_90 = arith.constant 16 : i32
    %add3A_91 = arith.addi %cond3A_73, %add3A_90 : i32
    %swap3A_92 = arith.index_cast %add3A_91 : i32 to index
    %swap3A_93 = tpu.vector_load %arg9[%swap3A_92] {strides = array<i32>} : memref<5288xi32, #tpu.memory_space<vmem>>, vector<16xi32>,
    tpu.vector_store %arg9[%swap3A_92], %broadcast_in_dim3A_89 {strides = array<i32>} : memref<5288xi32, #tpu.memory_space<vmem>>, vector<16xi32>,
    %sub3A_94 = arith.constant 8 : i32
    %sub3A_95 = arith.subi %cond3A_73, %sub3A_94 : i32
    %add3A_96 = arith.constant 16 : i32
    %add3A_97 = arith.addi %sub3A_95, %add3A_96 : i32
    %sub3A_98 = arith.constant 1 : i32
    %sub3A_99 = arith.subi %add3A_97, %sub3A_98 : i32
    %jit3A = arith.constant 16 : i32
    %div3A = arith.divsi %sub3A_99, %jit3A : i32
    %sign3A = arith.constant 0 : i32
    %sign3A_100 = arith.cmpi sgt, %sub3A_99, %sign3A : i32
    %sign3A_101 = arith.extui %sign3A_100 : i1 to i32
    %sign3A_102 = arith.constant 0 : i32
    %sign3A_103 = arith.cmpi slt, %sub3A_99, %sign3A_102 : i32
    %sign3A_104 = arith.extui %sign3A_103 : i1 to i32
    %sign3A_105 = arith.subi %sign3A_101, %sign3A_104 : i32
    %sign3A_106 = arith.constant 0 : i32
    %sign3A_107 = arith.cmpi sgt, %jit3A, %sign3A_106 : i32
    %sign3A_108 = arith.extui %sign3A_107 : i1 to i32
    %sign3A_109 = arith.constant 0 : i32
    %sign3A_110 = arith.cmpi slt, %jit3A, %sign3A_109 : i32
    %sign3A_111 = arith.extui %sign3A_110 : i1 to i32
    %sign3A_112 = arith.subi %sign3A_108, %sign3A_111 : i32
    %ne3A = arith.cmpi ne, %sign3A_105, %sign3A_112 : i32
    %rem3A = arith.remsi %sub3A_99, %jit3A : i32
    %ne3A_113 = arith.constant 0 : i32
    %ne3A_114 = arith.cmpi ne, %rem3A, %ne3A_113 : i32
    %and3A = arith.andi %ne3A, %ne3A_114 : i1
    %sub3A_115 = arith.constant 1 : i32
    %sub3A_116 = arith.subi %div3A, %sub3A_115 : i32
    %select_n3A = arith.select %and3A, %sub3A_116, %div3A : i32
    %while3A = arith.constant 0 : i32
    %while3A_117 = arith.constant 0 : i32
    %while3A_118 = arith.subi %select_n3A, %while3A : i32
    %while3A_119 = arith.addi %while3A, %while3A_118 : i32
    %while3A_120 = arith.constant 1 : i32
    %while3A_121 = arith.divsi %while3A_118, %while3A_120 : i32
    %while3A_122 = arith.muli %while3A_121, %while3A_120 : i32
    %while3A_123 = arith.addi %while3A, %while3A_122 : i32
    %while3A_124 = arith.constant 1 : i32
    %while3A_125 = scf.for %while3A_128 = %while3A to %while3A_123 step %while3A_124 iter_args(%while3A_129 = %while3A_117) -> (i32)  : i32 {
      %mul3A_130 = arith.constant 16 : i32
      %mul3A_131 = arith.muli %while3A_128, %mul3A_130 : i32
      %add3A_132 = arith.constant 8 : i32
      %add3A_133 = arith.addi %add3A_132, %mul3A_131 : i32
      %get3A = arith.index_cast %add3A_133 : i32 to index
      %get3A_134 = tpu.vector_load %arg8[%get3A] {strides = array<i32>} : memref<5288xf32, #tpu.memory_space<vmem>>, vector<16xf32>,
      %get3A_135 = arith.index_cast %add3A_133 : i32 to index
      %get3A_136 = tpu.vector_load %arg9[%get3A_135] {strides = array<i32>} : memref<5288xi32, #tpu.memory_space<vmem>>, vector<16xi32>,
      %shift_right_logical3A = arith.constant 12 : i32
      %shift_right_logical3A_137 = vector.broadcast %shift_right_logical3A : i32 to vector<16xi32>
      %shift_right_logical3A_138 = arith.shrui %get3A_136, %shift_right_logical3A_137 : vector<16xi32>
      %sub3A_139 = arith.constant 1 : i32
      %sub3A_140 = arith.subi %add3A_133, %sub3A_139 : i32
      %get3A_141 = arith.index_cast %sub3A_140 : i32 to index
      %get3A_142 = tpu.vector_load %arg8[%get3A_141] {strides = array<i32>} : memref<5288xf32, #tpu.memory_space<vmem>>, vector<16xf32>,
      %sub3A_143 = arith.constant 1 : i32
      %sub3A_144 = arith.subi %add3A_133, %sub3A_143 : i32
      %get3A_145 = arith.index_cast %sub3A_144 : i32 to index
      %get3A_146 = tpu.vector_load %arg9[%get3A_145] {strides = array<i32>} : memref<5288xi32, #tpu.memory_space<vmem>>, vector<16xi32>,
      %sub3A_147 = arith.constant 2 : i32
      %sub3A_148 = arith.subi %add3A_133, %sub3A_147 : i32
      %get3A_149 = arith.index_cast %sub3A_148 : i32 to index
      %get3A_150 = tpu.vector_load %arg8[%get3A_149] {strides = array<i32>} : memref<5288xf32, #tpu.memory_space<vmem>>, vector<16xf32>,
      %sub3A_151 = arith.constant 2 : i32
      %sub3A_152 = arith.subi %add3A_133, %sub3A_151 : i32
      %get3A_153 = arith.index_cast %sub3A_152 : i32 to index
      %get3A_154 = tpu.vector_load %arg9[%get3A_153] {strides = array<i32>} : memref<5288xi32, #tpu.memory_space<vmem>>, vector<16xi32>,
      %sub3A_155 = arith.constant 3 : i32
      %sub3A_156 = arith.subi %add3A_133, %sub3A_155 : i32
      %get3A_157 = arith.index_cast %sub3A_156 : i32 to index
      %get3A_158 = tpu.vector_load %arg8[%get3A_157] {strides = array<i32>} : memref<5288xf32, #tpu.memory_space<vmem>>, vector<16xf32>,
      %sub3A_159 = arith.constant 3 : i32
      %sub3A_160 = arith.subi %add3A_133, %sub3A_159 : i32
      %get3A_161 = arith.index_cast %sub3A_160 : i32 to index
      %get3A_162 = tpu.vector_load %arg9[%get3A_161] {strides = array<i32>} : memref<5288xi32, #tpu.memory_space<vmem>>, vector<16xi32>,
      %shift_right_logical3A_163 = arith.constant 12 : i32
      %shift_right_logical3A_164 = vector.broadcast %shift_right_logical3A_163 : i32 to vector<16xi32>
      %shift_right_logical3A_165 = arith.shrui %get3A_154, %shift_right_logical3A_164 : vector<16xi32>
      %shift_right_logical3A_166 = arith.constant 12 : i32
      %shift_right_logical3A_167 = vector.broadcast %shift_right_logical3A_166 : i32 to vector<16xi32>
      %shift_right_logical3A_168 = arith.shrui %get3A_146, %shift_right_logical3A_167 : vector<16xi32>
      %eq3A_169 = arith.cmpi eq, %shift_right_logical3A_168, %shift_right_logical3A_138 : vector<16xi32>
      %gt3A = arith.cmpf ogt, %get3A_142, %get3A_134 : vector<16xf32>
      %eq3A_170 = arith.cmpf oeq, %get3A_142, %get3A_134 : vector<16xf32>
      %lt3A = arith.cmpi slt, %get3A_146, %get3A_136 : vector<16xi32>
      %and3A_171 = arith.andi %eq3A_170, %lt3A : vector<16xi1>
      %or3A = arith.ori %gt3A, %and3A_171 : vector<16xi1>
      %and3A_172 = arith.andi %eq3A_169, %or3A : vector<16xi1>
      %select_n3A_173 = arith.select %and3A_172, %get3A_142, %get3A_134 : vector<16xi1>, vector<16xf32>
      %select_n3A_174 = arith.select %and3A_172, %get3A_146, %get3A_136 : vector<16xi1>, vector<16xi32>
      %shift_right_logical3A_175 = arith.constant 12 : i32
      %shift_right_logical3A_176 = vector.broadcast %shift_right_logical3A_175 : i32 to vector<16xi32>
      %shift_right_logical3A_177 = arith.shrui %get3A_162, %shift_right_logical3A_176 : vector<16xi32>
      %eq3A_178 = arith.cmpi eq, %shift_right_logical3A_177, %shift_right_logical3A_165 : vector<16xi32>
      %gt3A_179 = arith.cmpf ogt, %get3A_158, %get3A_150 : vector<16xf32>
      %eq3A_180 = arith.cmpf oeq, %get3A_158, %get3A_150 : vector<16xf32>
      %lt3A_181 = arith.cmpi slt, %get3A_162, %get3A_154 : vector<16xi32>
      %and3A_182 = arith.andi %eq3A_180, %lt3A_181 : vector<16xi1>
      %or3A_183 = arith.ori %gt3A_179, %and3A_182 : vector<16xi1>
      %and3A_184 = arith.andi %eq3A_178, %or3A_183 : vector<16xi1>
      %select_n3A_185 = arith.select %and3A_184, %get3A_158, %get3A_150 : vector<16xi1>, vector<16xf32>
      %select_n3A_186 = arith.select %and3A_184, %get3A_162, %get3A_154 : vector<16xi1>, vector<16xi32>
      %eq3A_187 = arith.cmpi eq, %shift_right_logical3A_165, %shift_right_logical3A_138 : vector<16xi32>
      %gt3A_188 = arith.cmpf ogt, %select_n3A_185, %select_n3A_173 : vector<16xf32>
      %eq3A_189 = arith.cmpf oeq, %select_n3A_185, %select_n3A_173 : vector<16xf32>
      %lt3A_190 = arith.cmpi slt, %select_n3A_186, %select_n3A_174 : vector<16xi32>
      %and3A_191 = arith.andi %eq3A_189, %lt3A_190 : vector<16xi1>
      %or3A_192 = arith.ori %gt3A_188, %and3A_191 : vector<16xi1>
      %and3A_193 = arith.andi %eq3A_187, %or3A_192 : vector<16xi1>
      %select_n3A_194 = arith.select %and3A_193, %select_n3A_185, %select_n3A_173 : vector<16xi1>, vector<16xf32>
      %select_n3A_195 = arith.select %and3A_193, %select_n3A_186, %select_n3A_174 : vector<16xi1>, vector<16xi32>
      %broadcast_in_dim3A_196 = vector.shape_cast %max3A_59 : vector<16xi32> to vector<16x1xi32>
      %gather3A = vector.shape_cast %broadcast_in_dim3A_196 : vector<16x1xi32> to vector<16xi32>
      %gather3A_197 = tpu.dynamic_gather %select_n3A_194[%gather3A] in [0] : vector<16xf32>, vector<16xi32> -> vector<16xf32>
      %broadcast_in_dim3A_198 = vector.shape_cast %max3A_59 : vector<16xi32> to vector<16x1xi32>
      %gather3A_199 = vector.shape_cast %broadcast_in_dim3A_198 : vector<16x1xi32> to vector<16xi32>
      %gather3A_200 = tpu.dynamic_gather %select_n3A_195[%gather3A_199] in [0] : vector<16xi32>, vector<16xi32> -> vector<16xi32>
      %shift_right_logical3A_201 = arith.constant 12 : i32
      %shift_right_logical3A_202 = vector.broadcast %shift_right_logical3A_201 : i32 to vector<16xi32>
      %shift_right_logical3A_203 = arith.shrui %gather3A_200, %shift_right_logical3A_202 : vector<16xi32>
      %eq3A_204 = arith.cmpi eq, %shift_right_logical3A_203, %shift_right_logical3A_138 : vector<16xi32>
      %gt3A_205 = arith.cmpf ogt, %gather3A_197, %select_n3A_194 : vector<16xf32>
      %eq3A_206 = arith.cmpf oeq, %gather3A_197, %select_n3A_194 : vector<16xf32>
      %lt3A_207 = arith.cmpi slt, %gather3A_200, %select_n3A_195 : vector<16xi32>
      %and3A_208 = arith.andi %eq3A_206, %lt3A_207 : vector<16xi1>
      %or3A_209 = arith.ori %gt3A_205, %and3A_208 : vector<16xi1>
      %and3A_210 = arith.andi %eq3A_204, %or3A_209 : vector<16xi1>
      %select_n3A_211 = arith.select %and3A_210, %gather3A_197, %select_n3A_194 : vector<16xi1>, vector<16xf32>
      %select_n3A_212 = arith.select %and3A_210, %gather3A_200, %select_n3A_195 : vector<16xi1>, vector<16xi32>
      %broadcast_in_dim3A_213 = vector.shape_cast %max3A_65 : vector<16xi32> to vector<16x1xi32>
      %gather3A_214 = vector.shape_cast %broadcast_in_dim3A_213 : vector<16x1xi32> to vector<16xi32>
      %gather3A_215 = tpu.dynamic_gather %select_n3A_211[%gather3A_214] in [0] : vector<16xf32>, vector<16xi32> -> vector<16xf32>
      %broadcast_in_dim3A_216 = vector.shape_cast %max3A_65 : vector<16xi32> to vector<16x1xi32>
      %gather3A_217 = vector.shape_cast %broadcast_in_dim3A_216 : vector<16x1xi32> to vector<16xi32>
      %gather3A_218 = tpu.dynamic_gather %select_n3A_212[%gather3A_217] in [0] : vector<16xi32>, vector<16xi32> -> vector<16xi32>
      %shift_right_logical3A_219 = arith.constant 12 : i32
      %shift_right_logical3A_220 = vector.broadcast %shift_right_logical3A_219 : i32 to vector<16xi32>
      %shift_right_logical3A_221 = arith.shrui %gather3A_218, %shift_right_logical3A_220 : vector<16xi32>
      %eq3A_222 = arith.cmpi eq, %shift_right_logical3A_221, %shift_right_logical3A_138 : vector<16xi32>
      %gt3A_223 = arith.cmpf ogt, %gather3A_215, %select_n3A_211 : vector<16xf32>
      %eq3A_224 = arith.cmpf oeq, %gather3A_215, %select_n3A_211 : vector<16xf32>
      %lt3A_225 = arith.cmpi slt, %gather3A_218, %select_n3A_212 : vector<16xi32>
      %and3A_226 = arith.andi %eq3A_224, %lt3A_225 : vector<16xi1>
      %or3A_227 = arith.ori %gt3A_223, %and3A_226 : vector<16xi1>
      %and3A_228 = arith.andi %eq3A_222, %or3A_227 : vector<16xi1>
      %select_n3A_229 = arith.select %and3A_228, %gather3A_215, %select_n3A_211 : vector<16xi1>, vector<16xf32>
      %select_n3A_230 = arith.select %and3A_228, %gather3A_218, %select_n3A_212 : vector<16xi1>, vector<16xi32>
      %add3A_231 = arith.constant 1 : i32
      %add3A_232 = arith.addi %add3A_133, %add3A_231 : i32
      %get3A_233 = arith.index_cast %add3A_232 : i32 to index
      %get3A_234 = tpu.vector_load %arg9[%get3A_233] {strides = array<i32>} : memref<5288xi32, #tpu.memory_space<vmem>>, vector<16xi32>,
      %shift_right_logical3A_235 = arith.constant 12 : i32
      %shift_right_logical3A_236 = vector.broadcast %shift_right_logical3A_235 : i32 to vector<16xi32>
      %shift_right_logical3A_237 = arith.shrui %get3A_234, %shift_right_logical3A_236 : vector<16xi32>
      %ne3A_238 = arith.cmpi ne, %shift_right_logical3A_237, %shift_right_logical3A_138 : vector<16xi32>
      %eq3A_239 = arith.constant 15 : i32
      %eq3A_240 = vector.broadcast %eq3A_239 : i32 to vector<16xi32>
      %eq3A_241 = arith.cmpi eq, %iota3A, %eq3A_240 : vector<16xi32>
      %or3A_242 = arith.ori %ne3A_238, %eq3A_241 : vector<16xi1>
      %gather3A_243 = tpu.vector_load_idx %arg10[%shift_right_logical3A_138] masked %or3A_242 : memref<4096xf32, #tpu.memory_space<vmem>>[vector<16xi32>], vector<16xf32>, vector<16xi1>
      %gather3A_244 = tpu.vector_load_idx %arg11[%shift_right_logical3A_138] masked %or3A_242 : memref<4096xi32, #tpu.memory_space<vmem>>[vector<16xi32>], vector<16xi32>, vector<16xi1>
      %gt3A_245 = arith.cmpf ogt, %select_n3A_229, %gather3A_243 : vector<16xf32>
      %eq3A_246 = arith.cmpf oeq, %select_n3A_229, %gather3A_243 : vector<16xf32>
      %lt3A_247 = arith.cmpi slt, %select_n3A_230, %gather3A_244 : vector<16xi32>
      %and3A_248 = arith.andi %eq3A_246, %lt3A_247 : vector<16xi1>
      %or3A_249 = arith.ori %gt3A_245, %and3A_248 : vector<16xi1>
      %and3A_250 = arith.andi %or3A_242, %or3A_249 : vector<16xi1>
      tpu.vector_store_idx %arg10[%shift_right_logical3A_138], %select_n3A_229 masked %and3A_250 : memref<4096xf32, #tpu.memory_space<vmem>>[vector<16xi32>], vector<16xf32>, vector<16xi1>
      tpu.vector_store_idx %arg11[%shift_right_logical3A_138], %select_n3A_230 masked %and3A_250 : memref<4096xi32, #tpu.memory_space<vmem>>[vector<16xi32>], vector<16xi32>, vector<16xi1>
      %while3A_251 = arith.constant 0 : i32
      scf.yield %while3A_251 : i32
    }
    %while3A_126 = arith.constant 1 : i32
    %while3A_127 = scf.for %while3A_128 = %while3A_123 to %while3A_119 step %while3A_126 iter_args(%while3A_129 = %while3A_125) -> (i32)  : i32 {
      %mul3A_130 = arith.constant 16 : i32
      %mul3A_131 = arith.muli %while3A_128, %mul3A_130 : i32
      %add3A_132 = arith.constant 8 : i32
      %add3A_133 = arith.addi %add3A_132, %mul3A_131 : i32
      %get3A = arith.index_cast %add3A_133 : i32 to index
      %get3A_134 = tpu.vector_load %arg8[%get3A] {strides = array<i32>} : memref<5288xf32, #tpu.memory_space<vmem>>, vector<16xf32>,
      %get3A_135 = arith.index_cast %add3A_133 : i32 to index
      %get3A_136 = tpu.vector_load %arg9[%get3A_135] {strides = array<i32>} : memref<5288xi32, #tpu.memory_space<vmem>>, vector<16xi32>,
      %shift_right_logical3A = arith.constant 12 : i32
      %shift_right_logical3A_137 = vector.broadcast %shift_right_logical3A : i32 to vector<16xi32>
      %shift_right_logical3A_138 = arith.shrui %get3A_136, %shift_right_logical3A_137 : vector<16xi32>
      %sub3A_139 = arith.constant 1 : i32
      %sub3A_140 = arith.subi %add3A_133, %sub3A_139 : i32
      %get3A_141 = arith.index_cast %sub3A_140 : i32 to index
      %get3A_142 = tpu.vector_load %arg8[%get3A_141] {strides = array<i32>} : memref<5288xf32, #tpu.memory_space<vmem>>, vector<16xf32>,
      %sub3A_143 = arith.constant 1 : i32
      %sub3A_144 = arith.subi %add3A_133, %sub3A_143 : i32
      %get3A_145 = arith.index_cast %sub3A_144 : i32 to index
      %get3A_146 = tpu.vector_load %arg9[%get3A_145] {strides = array<i32>} : memref<5288xi32, #tpu.memory_space<vmem>>, vector<16xi32>,
      %sub3A_147 = arith.constant 2 : i32
      %sub3A_148 = arith.subi %add3A_133, %sub3A_147 : i32
      %get3A_149 = arith.index_cast %sub3A_148 : i32 to index
      %get3A_150 = tpu.vector_load %arg8[%get3A_149] {strides = array<i32>} : memref<5288xf32, #tpu.memory_space<vmem>>, vector<16xf32>,
      %sub3A_151 = arith.constant 2 : i32
      %sub3A_152 = arith.subi %add3A_133, %sub3A_151 : i32
      %get3A_153 = arith.index_cast %sub3A_152 : i32 to index
      %get3A_154 = tpu.vector_load %arg9[%get3A_153] {strides = array<i32>} : memref<5288xi32, #tpu.memory_space<vmem>>, vector<16xi32>,
      %sub3A_155 = arith.constant 3 : i32
      %sub3A_156 = arith.subi %add3A_133, %sub3A_155 : i32
      %get3A_157 = arith.index_cast %sub3A_156 : i32 to index
      %get3A_158 = tpu.vector_load %arg8[%get3A_157] {strides = array<i32>} : memref<5288xf32, #tpu.memory_space<vmem>>, vector<16xf32>,
      %sub3A_159 = arith.constant 3 : i32
      %sub3A_160 = arith.subi %add3A_133, %sub3A_159 : i32
      %get3A_161 = arith.index_cast %sub3A_160 : i32 to index
      %get3A_162 = tpu.vector_load %arg9[%get3A_161] {strides = array<i32>} : memref<5288xi32, #tpu.memory_space<vmem>>, vector<16xi32>,
      %shift_right_logical3A_163 = arith.constant 12 : i32
      %shift_right_logical3A_164 = vector.broadcast %shift_right_logical3A_163 : i32 to vector<16xi32>
      %shift_right_logical3A_165 = arith.shrui %get3A_154, %shift_right_logical3A_164 : vector<16xi32>
      %shift_right_logical3A_166 = arith.constant 12 : i32
      %shift_right_logical3A_167 = vector.broadcast %shift_right_logical3A_166 : i32 to vector<16xi32>
      %shift_right_logical3A_168 = arith.shrui %get3A_146, %shift_right_logical3A_167 : vector<16xi32>
      %eq3A_169 = arith.cmpi eq, %shift_right_logical3A_168, %shift_right_logical3A_138 : vector<16xi32>
      %gt3A = arith.cmpf ogt, %get3A_142, %get3A_134 : vector<16xf32>
      %eq3A_170 = arith.cmpf oeq, %get3A_142, %get3A_134 : vector<16xf32>
      %lt3A = arith.cmpi slt, %get3A_146, %get3A_136 : vector<16xi32>
      %and3A_171 = arith.andi %eq3A_170, %lt3A : vector<16xi1>
      %or3A = arith.ori %gt3A, %and3A_171 : vector<16xi1>
      %and3A_172 = arith.andi %eq3A_169, %or3A : vector<16xi1>
      %select_n3A_173 = arith.select %and3A_172, %get3A_142, %get3A_134 : vector<16xi1>, vector<16xf32>
      %select_n3A_174 = arith.select %and3A_172, %get3A_146, %get3A_136 : vector<16xi1>, vector<16xi32>
      %shift_right_logical3A_175 = arith.constant 12 : i32
      %shift_right_logical3A_176 = vector.broadcast %shift_right_logical3A_175 : i32 to vector<16xi32>
      %shift_right_logical3A_177 = arith.shrui %get3A_162, %shift_right_logical3A_176 : vector<16xi32>
      %eq3A_178 = arith.cmpi eq, %shift_right_logical3A_177, %shift_right_logical3A_165 : vector<16xi32>
      %gt3A_179 = arith.cmpf ogt, %get3A_158, %get3A_150 : vector<16xf32>
      %eq3A_180 = arith.cmpf oeq, %get3A_158, %get3A_150 : vector<16xf32>
      %lt3A_181 = arith.cmpi slt, %get3A_162, %get3A_154 : vector<16xi32>
      %and3A_182 = arith.andi %eq3A_180, %lt3A_181 : vector<16xi1>
      %or3A_183 = arith.ori %gt3A_179, %and3A_182 : vector<16xi1>
      %and3A_184 = arith.andi %eq3A_178, %or3A_183 : vector<16xi1>
      %select_n3A_185 = arith.select %and3A_184, %get3A_158, %get3A_150 : vector<16xi1>, vector<16xf32>
      %select_n3A_186 = arith.select %and3A_184, %get3A_162, %get3A_154 : vector<16xi1>, vector<16xi32>
      %eq3A_187 = arith.cmpi eq, %shift_right_logical3A_165, %shift_right_logical3A_138 : vector<16xi32>
      %gt3A_188 = arith.cmpf ogt, %select_n3A_185, %select_n3A_173 : vector<16xf32>
      %eq3A_189 = arith.cmpf oeq, %select_n3A_185, %select_n3A_173 : vector<16xf32>
      %lt3A_190 = arith.cmpi slt, %select_n3A_186, %select_n3A_174 : vector<16xi32>
      %and3A_191 = arith.andi %eq3A_189, %lt3A_190 : vector<16xi1>
      %or3A_192 = arith.ori %gt3A_188, %and3A_191 : vector<16xi1>
      %and3A_193 = arith.andi %eq3A_187, %or3A_192 : vector<16xi1>
      %select_n3A_194 = arith.select %and3A_193, %select_n3A_185, %select_n3A_173 : vector<16xi1>, vector<16xf32>
      %select_n3A_195 = arith.select %and3A_193, %select_n3A_186, %select_n3A_174 : vector<16xi1>, vector<16xi32>
      %broadcast_in_dim3A_196 = vector.shape_cast %max3A_59 : vector<16xi32> to vector<16x1xi32>
      %gather3A = vector.shape_cast %broadcast_in_dim3A_196 : vector<16x1xi32> to vector<16xi32>
      %gather3A_197 = tpu.dynamic_gather %select_n3A_194[%gather3A] in [0] : vector<16xf32>, vector<16xi32> -> vector<16xf32>
      %broadcast_in_dim3A_198 = vector.shape_cast %max3A_59 : vector<16xi32> to vector<16x1xi32>
      %gather3A_199 = vector.shape_cast %broadcast_in_dim3A_198 : vector<16x1xi32> to vector<16xi32>
      %gather3A_200 = tpu.dynamic_gather %select_n3A_195[%gather3A_199] in [0] : vector<16xi32>, vector<16xi32> -> vector<16xi32>
      %shift_right_logical3A_201 = arith.constant 12 : i32
      %shift_right_logical3A_202 = vector.broadcast %shift_right_logical3A_201 : i32 to vector<16xi32>
      %shift_right_logical3A_203 = arith.shrui %gather3A_200, %shift_right_logical3A_202 : vector<16xi32>
      %eq3A_204 = arith.cmpi eq, %shift_right_logical3A_203, %shift_right_logical3A_138 : vector<16xi32>
      %gt3A_205 = arith.cmpf ogt, %gather3A_197, %select_n3A_194 : vector<16xf32>
      %eq3A_206 = arith.cmpf oeq, %gather3A_197, %select_n3A_194 : vector<16xf32>
      %lt3A_207 = arith.cmpi slt, %gather3A_200, %select_n3A_195 : vector<16xi32>
      %and3A_208 = arith.andi %eq3A_206, %lt3A_207 : vector<16xi1>
      %or3A_209 = arith.ori %gt3A_205, %and3A_208 : vector<16xi1>
      %and3A_210 = arith.andi %eq3A_204, %or3A_209 : vector<16xi1>
      %select_n3A_211 = arith.select %and3A_210, %gather3A_197, %select_n3A_194 : vector<16xi1>, vector<16xf32>
      %select_n3A_212 = arith.select %and3A_210, %gather3A_200, %select_n3A_195 : vector<16xi1>, vector<16xi32>
      %broadcast_in_dim3A_213 = vector.shape_cast %max3A_65 : vector<16xi32> to vector<16x1xi32>
      %gather3A_214 = vector.shape_cast %broadcast_in_dim3A_213 : vector<16x1xi32> to vector<16xi32>
      %gather3A_215 = tpu.dynamic_gather %select_n3A_211[%gather3A_214] in [0] : vector<16xf32>, vector<16xi32> -> vector<16xf32>
      %broadcast_in_dim3A_216 = vector.shape_cast %max3A_65 : vector<16xi32> to vector<16x1xi32>
      %gather3A_217 = vector.shape_cast %broadcast_in_dim3A_216 : vector<16x1xi32> to vector<16xi32>
      %gather3A_218 = tpu.dynamic_gather %select_n3A_212[%gather3A_217] in [0] : vector<16xi32>, vector<16xi32> -> vector<16xi32>
      %shift_right_logical3A_219 = arith.constant 12 : i32
      %shift_right_logical3A_220 = vector.broadcast %shift_right_logical3A_219 : i32 to vector<16xi32>
      %shift_right_logical3A_221 = arith.shrui %gather3A_218, %shift_right_logical3A_220 : vector<16xi32>
      %eq3A_222 = arith.cmpi eq, %shift_right_logical3A_221, %shift_right_logical3A_138 : vector<16xi32>
      %gt3A_223 = arith.cmpf ogt, %gather3A_215, %select_n3A_211 : vector<16xf32>
      %eq3A_224 = arith.cmpf oeq, %gather3A_215, %select_n3A_211 : vector<16xf32>
      %lt3A_225 = arith.cmpi slt, %gather3A_218, %select_n3A_212 : vector<16xi32>
      %and3A_226 = arith.andi %eq3A_224, %lt3A_225 : vector<16xi1>
      %or3A_227 = arith.ori %gt3A_223, %and3A_226 : vector<16xi1>
      %and3A_228 = arith.andi %eq3A_222, %or3A_227 : vector<16xi1>
      %select_n3A_229 = arith.select %and3A_228, %gather3A_215, %select_n3A_211 : vector<16xi1>, vector<16xf32>
      %select_n3A_230 = arith.select %and3A_228, %gather3A_218, %select_n3A_212 : vector<16xi1>, vector<16xi32>
      %add3A_231 = arith.constant 1 : i32
      %add3A_232 = arith.addi %add3A_133, %add3A_231 : i32
      %get3A_233 = arith.index_cast %add3A_232 : i32 to index
      %get3A_234 = tpu.vector_load %arg9[%get3A_233] {strides = array<i32>} : memref<5288xi32, #tpu.memory_space<vmem>>, vector<16xi32>,
      %shift_right_logical3A_235 = arith.constant 12 : i32
      %shift_right_logical3A_236 = vector.broadcast %shift_right_logical3A_235 : i32 to vector<16xi32>
      %shift_right_logical3A_237 = arith.shrui %get3A_234, %shift_right_logical3A_236 : vector<16xi32>
      %ne3A_238 = arith.cmpi ne, %shift_right_logical3A_237, %shift_right_logical3A_138 : vector<16xi32>
      %eq3A_239 = arith.constant 15 : i32
      %eq3A_240 = vector.broadcast %eq3A_239 : i32 to vector<16xi32>
      %eq3A_241 = arith.cmpi eq, %iota3A, %eq3A_240 : vector<16xi32>
      %or3A_242 = arith.ori %ne3A_238, %eq3A_241 : vector<16xi1>
      %gather3A_243 = tpu.vector_load_idx %arg10[%shift_right_logical3A_138] masked %or3A_242 : memref<4096xf32, #tpu.memory_space<vmem>>[vector<16xi32>], vector<16xf32>, vector<16xi1>
      %gather3A_244 = tpu.vector_load_idx %arg11[%shift_right_logical3A_138] masked %or3A_242 : memref<4096xi32, #tpu.memory_space<vmem>>[vector<16xi32>], vector<16xi32>, vector<16xi1>
      %gt3A_245 = arith.cmpf ogt, %select_n3A_229, %gather3A_243 : vector<16xf32>
      %eq3A_246 = arith.cmpf oeq, %select_n3A_229, %gather3A_243 : vector<16xf32>
      %lt3A_247 = arith.cmpi slt, %select_n3A_230, %gather3A_244 : vector<16xi32>
      %and3A_248 = arith.andi %eq3A_246, %lt3A_247 : vector<16xi1>
      %or3A_249 = arith.ori %gt3A_245, %and3A_248 : vector<16xi1>
      %and3A_250 = arith.andi %or3A_242, %or3A_249 : vector<16xi1>
      tpu.vector_store_idx %arg10[%shift_right_logical3A_138], %select_n3A_229 masked %and3A_250 : memref<4096xf32, #tpu.memory_space<vmem>>[vector<16xi32>], vector<16xf32>, vector<16xi1>
      tpu.vector_store_idx %arg11[%shift_right_logical3A_138], %select_n3A_230 masked %and3A_250 : memref<4096xi32, #tpu.memory_space<vmem>>[vector<16xi32>], vector<16xi32>, vector<16xi1>
      %while3A_251 = arith.constant 0 : i32
      scf.yield %while3A_251 : i32
    }
    "tpu.region"() ({
      %run_scoped3A = tpu.sem_alloc : memref<!tpu.dma_semaphore, #tpu.memory_space<semaphore_mem>>
      %dma_start3A_128 = arith.constant 0 : i32
      %dma_start3A_129 = tpu.memref_slice %arg4[%add3A, %dma_start3A_128] : memref<32x4096xf32, #tpu.memory_space<hbm>> -> memref<1x4096xf32, #tpu.memory_space<hbm>>
      %dma_start3A_130 = tpu.memref_squeeze %dma_start3A_129 : memref<1x4096xf32, #tpu.memory_space<hbm>> -> memref<4096xf32, #tpu.memory_space<hbm>>
      %dma_start3A_131 = arith.constant 0 : i32
      %dma_start3A_132 = tpu.memref_slice %arg4[%add3A, %dma_start3A_131] : memref<32x4096xf32, #tpu.memory_space<hbm>> -> memref<1x4096xf32, #tpu.memory_space<hbm>>
      %dma_start3A_133 = tpu.memref_squeeze %dma_start3A_132 : memref<1x4096xf32, #tpu.memory_space<hbm>> -> memref<4096xf32, #tpu.memory_space<hbm>>
      tpu.enqueue_dma source(%arg10 : memref<4096xf32, #tpu.memory_space<vmem>>) target(%dma_start3A_133 : memref<4096xf32, #tpu.memory_space<hbm>>) target_semaphore(%run_scoped3A : memref<!tpu.dma_semaphore, #tpu.memory_space<semaphore_mem>>)
      %dma_wait3A_134 = arith.constant 0 : i32
      %dma_wait3A_135 = tpu.memref_slice %arg4[%add3A, %dma_wait3A_134] : memref<32x4096xf32, #tpu.memory_space<hbm>> -> memref<1x4096xf32, #tpu.memory_space<hbm>>
      %dma_wait3A_136 = tpu.memref_squeeze %dma_wait3A_135 : memref<1x4096xf32, #tpu.memory_space<hbm>> -> memref<4096xf32, #tpu.memory_space<hbm>>
      %dma_wait3A_137 = arith.constant 0 : i32
      %dma_wait3A_138 = tpu.memref_slice %arg4[%add3A, %dma_wait3A_137] : memref<32x4096xf32, #tpu.memory_space<hbm>> -> memref<1x4096xf32, #tpu.memory_space<hbm>>
      %dma_wait3A_139 = tpu.memref_squeeze %dma_wait3A_138 : memref<1x4096xf32, #tpu.memory_space<hbm>> -> memref<4096xf32, #tpu.memory_space<hbm>>
      tpu.wait_dma2 semaphore(%run_scoped3A : memref<!tpu.dma_semaphore, #tpu.memory_space<semaphore_mem>>) src(%arg10 : memref<4096xf32, #tpu.memory_space<vmem>>) dst(%dma_wait3A_139 : memref<4096xf32, #tpu.memory_space<hbm>>)
      tpu.yield
    }) : () -> ()
    "tpu.region"() ({
      %run_scoped3A = tpu.sem_alloc : memref<!tpu.dma_semaphore, #tpu.memory_space<semaphore_mem>>
      %dma_start3A_128 = arith.constant 0 : i32
      %dma_start3A_129 = tpu.memref_slice %arg5[%add3A, %dma_start3A_128] : memref<32x4096xi32, #tpu.memory_space<hbm>> -> memref<1x4096xi32, #tpu.memory_space<hbm>>
      %dma_start3A_130 = tpu.memref_squeeze %dma_start3A_129 : memref<1x4096xi32, #tpu.memory_space<hbm>> -> memref<4096xi32, #tpu.memory_space<hbm>>
      %dma_start3A_131 = arith.constant 0 : i32
      %dma_start3A_132 = tpu.memref_slice %arg5[%add3A, %dma_start3A_131] : memref<32x4096xi32, #tpu.memory_space<hbm>> -> memref<1x4096xi32, #tpu.memory_space<hbm>>
      %dma_start3A_133 = tpu.memref_squeeze %dma_start3A_132 : memref<1x4096xi32, #tpu.memory_space<hbm>> -> memref<4096xi32, #tpu.memory_space<hbm>>
      tpu.enqueue_dma source(%arg11 : memref<4096xi32, #tpu.memory_space<vmem>>) target(%dma_start3A_133 : memref<4096xi32, #tpu.memory_space<hbm>>) target_semaphore(%run_scoped3A : memref<!tpu.dma_semaphore, #tpu.memory_space<semaphore_mem>>)
      %dma_wait3A_134 = arith.constant 0 : i32
      %dma_wait3A_135 = tpu.memref_slice %arg5[%add3A, %dma_wait3A_134] : memref<32x4096xi32, #tpu.memory_space<hbm>> -> memref<1x4096xi32, #tpu.memory_space<hbm>>
      %dma_wait3A_136 = tpu.memref_squeeze %dma_wait3A_135 : memref<1x4096xi32, #tpu.memory_space<hbm>> -> memref<4096xi32, #tpu.memory_space<hbm>>
      %dma_wait3A_137 = arith.constant 0 : i32
      %dma_wait3A_138 = tpu.memref_slice %arg5[%add3A, %dma_wait3A_137] : memref<32x4096xi32, #tpu.memory_space<hbm>> -> memref<1x4096xi32, #tpu.memory_space<hbm>>
      %dma_wait3A_139 = tpu.memref_squeeze %dma_wait3A_138 : memref<1x4096xi32, #tpu.memory_space<hbm>> -> memref<4096xi32, #tpu.memory_space<hbm>>
      tpu.wait_dma2 semaphore(%run_scoped3A : memref<!tpu.dma_semaphore, #tpu.memory_space<semaphore_mem>>) src(%arg11 : memref<4096xi32, #tpu.memory_space<vmem>>) dst(%dma_wait3A_139 : memref<4096xi32, #tpu.memory_space<hbm>>)
      tpu.yield
    }) : () -> ()
    return
  }
}

module attributes {stable_mosaic.version = 14 : i64} {
  func.func @_tc_combine_body(%arg0: memref<32x4096xf32, #tpu.memory_space<vmem>>, %arg1: memref<32x4096xi32, #tpu.memory_space<vmem>>, %arg2: memref<4096xf32, #tpu.memory_space<vmem>>, %arg3: memref<4096xi32, #tpu.memory_space<vmem>>) attributes {dimension_semantics = [], scalar_prefetch = 0 : i64, scratch_operands = 0 : i64, tpu.core_type = #tpu.core_type<tc>} {
    %get3A = arith.constant 0 : index
    %get3A_0 = arith.constant 0 : index
    %get3A_1 = vector.load %arg0[%get3A, %get3A_0] : memref<32x4096xf32, #tpu.memory_space<vmem>>, vector<1x4096xf32>
    %get3A_2 = vector.shape_cast %get3A_1 : vector<1x4096xf32> to vector<4096xf32>
    %get3A_3 = arith.constant 0 : index
    %get3A_4 = arith.constant 0 : index
    %get3A_5 = vector.load %arg1[%get3A_3, %get3A_4] : memref<32x4096xi32, #tpu.memory_space<vmem>>, vector<1x4096xi32>
    %get3A_6 = vector.shape_cast %get3A_5 : vector<1x4096xi32> to vector<4096xi32>
    %get3A_7 = arith.constant 1 : index
    %get3A_8 = arith.constant 0 : index
    %get3A_9 = vector.load %arg0[%get3A_7, %get3A_8] : memref<32x4096xf32, #tpu.memory_space<vmem>>, vector<1x4096xf32>
    %get3A_10 = vector.shape_cast %get3A_9 : vector<1x4096xf32> to vector<4096xf32>
    %get3A_11 = arith.constant 1 : index
    %get3A_12 = arith.constant 0 : index
    %get3A_13 = vector.load %arg1[%get3A_11, %get3A_12] : memref<32x4096xi32, #tpu.memory_space<vmem>>, vector<1x4096xi32>
    %get3A_14 = vector.shape_cast %get3A_13 : vector<1x4096xi32> to vector<4096xi32>
    %gt3A = arith.cmpf ogt, %get3A_10, %get3A_2 : vector<4096xf32>
    %eq3A = arith.cmpf oeq, %get3A_10, %get3A_2 : vector<4096xf32>
    %lt3A = arith.cmpi slt, %get3A_14, %get3A_6 : vector<4096xi32>
    %and3A = arith.andi %eq3A, %lt3A : vector<4096xi1>
    %or3A = arith.ori %gt3A, %and3A : vector<4096xi1>
    %select_n3A = arith.select %or3A, %get3A_10, %get3A_2 : vector<4096xi1>, vector<4096xf32>
    %select_n3A_15 = arith.select %or3A, %get3A_14, %get3A_6 : vector<4096xi1>, vector<4096xi32>
    %get3A_16 = arith.constant 2 : index
    %get3A_17 = arith.constant 0 : index
    %get3A_18 = vector.load %arg0[%get3A_16, %get3A_17] : memref<32x4096xf32, #tpu.memory_space<vmem>>, vector<1x4096xf32>
    %get3A_19 = vector.shape_cast %get3A_18 : vector<1x4096xf32> to vector<4096xf32>
    %get3A_20 = arith.constant 2 : index
    %get3A_21 = arith.constant 0 : index
    %get3A_22 = vector.load %arg1[%get3A_20, %get3A_21] : memref<32x4096xi32, #tpu.memory_space<vmem>>, vector<1x4096xi32>
    %get3A_23 = vector.shape_cast %get3A_22 : vector<1x4096xi32> to vector<4096xi32>
    %gt3A_24 = arith.cmpf ogt, %get3A_19, %select_n3A : vector<4096xf32>
    %eq3A_25 = arith.cmpf oeq, %get3A_19, %select_n3A : vector<4096xf32>
    %lt3A_26 = arith.cmpi slt, %get3A_23, %select_n3A_15 : vector<4096xi32>
    %and3A_27 = arith.andi %eq3A_25, %lt3A_26 : vector<4096xi1>
    %or3A_28 = arith.ori %gt3A_24, %and3A_27 : vector<4096xi1>
    %select_n3A_29 = arith.select %or3A_28, %get3A_19, %select_n3A : vector<4096xi1>, vector<4096xf32>
    %select_n3A_30 = arith.select %or3A_28, %get3A_23, %select_n3A_15 : vector<4096xi1>, vector<4096xi32>
    %get3A_31 = arith.constant 3 : index
    %get3A_32 = arith.constant 0 : index
    %get3A_33 = vector.load %arg0[%get3A_31, %get3A_32] : memref<32x4096xf32, #tpu.memory_space<vmem>>, vector<1x4096xf32>
    %get3A_34 = vector.shape_cast %get3A_33 : vector<1x4096xf32> to vector<4096xf32>
    %get3A_35 = arith.constant 3 : index
    %get3A_36 = arith.constant 0 : index
    %get3A_37 = vector.load %arg1[%get3A_35, %get3A_36] : memref<32x4096xi32, #tpu.memory_space<vmem>>, vector<1x4096xi32>
    %get3A_38 = vector.shape_cast %get3A_37 : vector<1x4096xi32> to vector<4096xi32>
    %gt3A_39 = arith.cmpf ogt, %get3A_34, %select_n3A_29 : vector<4096xf32>
    %eq3A_40 = arith.cmpf oeq, %get3A_34, %select_n3A_29 : vector<4096xf32>
    %lt3A_41 = arith.cmpi slt, %get3A_38, %select_n3A_30 : vector<4096xi32>
    %and3A_42 = arith.andi %eq3A_40, %lt3A_41 : vector<4096xi1>
    %or3A_43 = arith.ori %gt3A_39, %and3A_42 : vector<4096xi1>
    %select_n3A_44 = arith.select %or3A_43, %get3A_34, %select_n3A_29 : vector<4096xi1>, vector<4096xf32>
    %select_n3A_45 = arith.select %or3A_43, %get3A_38, %select_n3A_30 : vector<4096xi1>, vector<4096xi32>
    %get3A_46 = arith.constant 4 : index
    %get3A_47 = arith.constant 0 : index
    %get3A_48 = vector.load %arg0[%get3A_46, %get3A_47] : memref<32x4096xf32, #tpu.memory_space<vmem>>, vector<1x4096xf32>
    %get3A_49 = vector.shape_cast %get3A_48 : vector<1x4096xf32> to vector<4096xf32>
    %get3A_50 = arith.constant 4 : index
    %get3A_51 = arith.constant 0 : index
    %get3A_52 = vector.load %arg1[%get3A_50, %get3A_51] : memref<32x4096xi32, #tpu.memory_space<vmem>>, vector<1x4096xi32>
    %get3A_53 = vector.shape_cast %get3A_52 : vector<1x4096xi32> to vector<4096xi32>
    %gt3A_54 = arith.cmpf ogt, %get3A_49, %select_n3A_44 : vector<4096xf32>
    %eq3A_55 = arith.cmpf oeq, %get3A_49, %select_n3A_44 : vector<4096xf32>
    %lt3A_56 = arith.cmpi slt, %get3A_53, %select_n3A_45 : vector<4096xi32>
    %and3A_57 = arith.andi %eq3A_55, %lt3A_56 : vector<4096xi1>
    %or3A_58 = arith.ori %gt3A_54, %and3A_57 : vector<4096xi1>
    %select_n3A_59 = arith.select %or3A_58, %get3A_49, %select_n3A_44 : vector<4096xi1>, vector<4096xf32>
    %select_n3A_60 = arith.select %or3A_58, %get3A_53, %select_n3A_45 : vector<4096xi1>, vector<4096xi32>
    %get3A_61 = arith.constant 5 : index
    %get3A_62 = arith.constant 0 : index
    %get3A_63 = vector.load %arg0[%get3A_61, %get3A_62] : memref<32x4096xf32, #tpu.memory_space<vmem>>, vector<1x4096xf32>
    %get3A_64 = vector.shape_cast %get3A_63 : vector<1x4096xf32> to vector<4096xf32>
    %get3A_65 = arith.constant 5 : index
    %get3A_66 = arith.constant 0 : index
    %get3A_67 = vector.load %arg1[%get3A_65, %get3A_66] : memref<32x4096xi32, #tpu.memory_space<vmem>>, vector<1x4096xi32>
    %get3A_68 = vector.shape_cast %get3A_67 : vector<1x4096xi32> to vector<4096xi32>
    %gt3A_69 = arith.cmpf ogt, %get3A_64, %select_n3A_59 : vector<4096xf32>
    %eq3A_70 = arith.cmpf oeq, %get3A_64, %select_n3A_59 : vector<4096xf32>
    %lt3A_71 = arith.cmpi slt, %get3A_68, %select_n3A_60 : vector<4096xi32>
    %and3A_72 = arith.andi %eq3A_70, %lt3A_71 : vector<4096xi1>
    %or3A_73 = arith.ori %gt3A_69, %and3A_72 : vector<4096xi1>
    %select_n3A_74 = arith.select %or3A_73, %get3A_64, %select_n3A_59 : vector<4096xi1>, vector<4096xf32>
    %select_n3A_75 = arith.select %or3A_73, %get3A_68, %select_n3A_60 : vector<4096xi1>, vector<4096xi32>
    %get3A_76 = arith.constant 6 : index
    %get3A_77 = arith.constant 0 : index
    %get3A_78 = vector.load %arg0[%get3A_76, %get3A_77] : memref<32x4096xf32, #tpu.memory_space<vmem>>, vector<1x4096xf32>
    %get3A_79 = vector.shape_cast %get3A_78 : vector<1x4096xf32> to vector<4096xf32>
    %get3A_80 = arith.constant 6 : index
    %get3A_81 = arith.constant 0 : index
    %get3A_82 = vector.load %arg1[%get3A_80, %get3A_81] : memref<32x4096xi32, #tpu.memory_space<vmem>>, vector<1x4096xi32>
    %get3A_83 = vector.shape_cast %get3A_82 : vector<1x4096xi32> to vector<4096xi32>
    %gt3A_84 = arith.cmpf ogt, %get3A_79, %select_n3A_74 : vector<4096xf32>
    %eq3A_85 = arith.cmpf oeq, %get3A_79, %select_n3A_74 : vector<4096xf32>
    %lt3A_86 = arith.cmpi slt, %get3A_83, %select_n3A_75 : vector<4096xi32>
    %and3A_87 = arith.andi %eq3A_85, %lt3A_86 : vector<4096xi1>
    %or3A_88 = arith.ori %gt3A_84, %and3A_87 : vector<4096xi1>
    %select_n3A_89 = arith.select %or3A_88, %get3A_79, %select_n3A_74 : vector<4096xi1>, vector<4096xf32>
    %select_n3A_90 = arith.select %or3A_88, %get3A_83, %select_n3A_75 : vector<4096xi1>, vector<4096xi32>
    %get3A_91 = arith.constant 7 : index
    %get3A_92 = arith.constant 0 : index
    %get3A_93 = vector.load %arg0[%get3A_91, %get3A_92] : memref<32x4096xf32, #tpu.memory_space<vmem>>, vector<1x4096xf32>
    %get3A_94 = vector.shape_cast %get3A_93 : vector<1x4096xf32> to vector<4096xf32>
    %get3A_95 = arith.constant 7 : index
    %get3A_96 = arith.constant 0 : index
    %get3A_97 = vector.load %arg1[%get3A_95, %get3A_96] : memref<32x4096xi32, #tpu.memory_space<vmem>>, vector<1x4096xi32>
    %get3A_98 = vector.shape_cast %get3A_97 : vector<1x4096xi32> to vector<4096xi32>
    %gt3A_99 = arith.cmpf ogt, %get3A_94, %select_n3A_89 : vector<4096xf32>
    %eq3A_100 = arith.cmpf oeq, %get3A_94, %select_n3A_89 : vector<4096xf32>
    %lt3A_101 = arith.cmpi slt, %get3A_98, %select_n3A_90 : vector<4096xi32>
    %and3A_102 = arith.andi %eq3A_100, %lt3A_101 : vector<4096xi1>
    %or3A_103 = arith.ori %gt3A_99, %and3A_102 : vector<4096xi1>
    %select_n3A_104 = arith.select %or3A_103, %get3A_94, %select_n3A_89 : vector<4096xi1>, vector<4096xf32>
    %select_n3A_105 = arith.select %or3A_103, %get3A_98, %select_n3A_90 : vector<4096xi1>, vector<4096xi32>
    %get3A_106 = arith.constant 8 : index
    %get3A_107 = arith.constant 0 : index
    %get3A_108 = vector.load %arg0[%get3A_106, %get3A_107] : memref<32x4096xf32, #tpu.memory_space<vmem>>, vector<1x4096xf32>
    %get3A_109 = vector.shape_cast %get3A_108 : vector<1x4096xf32> to vector<4096xf32>
    %get3A_110 = arith.constant 8 : index
    %get3A_111 = arith.constant 0 : index
    %get3A_112 = vector.load %arg1[%get3A_110, %get3A_111] : memref<32x4096xi32, #tpu.memory_space<vmem>>, vector<1x4096xi32>
    %get3A_113 = vector.shape_cast %get3A_112 : vector<1x4096xi32> to vector<4096xi32>
    %gt3A_114 = arith.cmpf ogt, %get3A_109, %select_n3A_104 : vector<4096xf32>
    %eq3A_115 = arith.cmpf oeq, %get3A_109, %select_n3A_104 : vector<4096xf32>
    %lt3A_116 = arith.cmpi slt, %get3A_113, %select_n3A_105 : vector<4096xi32>
    %and3A_117 = arith.andi %eq3A_115, %lt3A_116 : vector<4096xi1>
    %or3A_118 = arith.ori %gt3A_114, %and3A_117 : vector<4096xi1>
    %select_n3A_119 = arith.select %or3A_118, %get3A_109, %select_n3A_104 : vector<4096xi1>, vector<4096xf32>
    %select_n3A_120 = arith.select %or3A_118, %get3A_113, %select_n3A_105 : vector<4096xi1>, vector<4096xi32>
    %get3A_121 = arith.constant 9 : index
    %get3A_122 = arith.constant 0 : index
    %get3A_123 = vector.load %arg0[%get3A_121, %get3A_122] : memref<32x4096xf32, #tpu.memory_space<vmem>>, vector<1x4096xf32>
    %get3A_124 = vector.shape_cast %get3A_123 : vector<1x4096xf32> to vector<4096xf32>
    %get3A_125 = arith.constant 9 : index
    %get3A_126 = arith.constant 0 : index
    %get3A_127 = vector.load %arg1[%get3A_125, %get3A_126] : memref<32x4096xi32, #tpu.memory_space<vmem>>, vector<1x4096xi32>
    %get3A_128 = vector.shape_cast %get3A_127 : vector<1x4096xi32> to vector<4096xi32>
    %gt3A_129 = arith.cmpf ogt, %get3A_124, %select_n3A_119 : vector<4096xf32>
    %eq3A_130 = arith.cmpf oeq, %get3A_124, %select_n3A_119 : vector<4096xf32>
    %lt3A_131 = arith.cmpi slt, %get3A_128, %select_n3A_120 : vector<4096xi32>
    %and3A_132 = arith.andi %eq3A_130, %lt3A_131 : vector<4096xi1>
    %or3A_133 = arith.ori %gt3A_129, %and3A_132 : vector<4096xi1>
    %select_n3A_134 = arith.select %or3A_133, %get3A_124, %select_n3A_119 : vector<4096xi1>, vector<4096xf32>
    %select_n3A_135 = arith.select %or3A_133, %get3A_128, %select_n3A_120 : vector<4096xi1>, vector<4096xi32>
    %get3A_136 = arith.constant 10 : index
    %get3A_137 = arith.constant 0 : index
    %get3A_138 = vector.load %arg0[%get3A_136, %get3A_137] : memref<32x4096xf32, #tpu.memory_space<vmem>>, vector<1x4096xf32>
    %get3A_139 = vector.shape_cast %get3A_138 : vector<1x4096xf32> to vector<4096xf32>
    %get3A_140 = arith.constant 10 : index
    %get3A_141 = arith.constant 0 : index
    %get3A_142 = vector.load %arg1[%get3A_140, %get3A_141] : memref<32x4096xi32, #tpu.memory_space<vmem>>, vector<1x4096xi32>
    %get3A_143 = vector.shape_cast %get3A_142 : vector<1x4096xi32> to vector<4096xi32>
    %gt3A_144 = arith.cmpf ogt, %get3A_139, %select_n3A_134 : vector<4096xf32>
    %eq3A_145 = arith.cmpf oeq, %get3A_139, %select_n3A_134 : vector<4096xf32>
    %lt3A_146 = arith.cmpi slt, %get3A_143, %select_n3A_135 : vector<4096xi32>
    %and3A_147 = arith.andi %eq3A_145, %lt3A_146 : vector<4096xi1>
    %or3A_148 = arith.ori %gt3A_144, %and3A_147 : vector<4096xi1>
    %select_n3A_149 = arith.select %or3A_148, %get3A_139, %select_n3A_134 : vector<4096xi1>, vector<4096xf32>
    %select_n3A_150 = arith.select %or3A_148, %get3A_143, %select_n3A_135 : vector<4096xi1>, vector<4096xi32>
    %get3A_151 = arith.constant 11 : index
    %get3A_152 = arith.constant 0 : index
    %get3A_153 = vector.load %arg0[%get3A_151, %get3A_152] : memref<32x4096xf32, #tpu.memory_space<vmem>>, vector<1x4096xf32>
    %get3A_154 = vector.shape_cast %get3A_153 : vector<1x4096xf32> to vector<4096xf32>
    %get3A_155 = arith.constant 11 : index
    %get3A_156 = arith.constant 0 : index
    %get3A_157 = vector.load %arg1[%get3A_155, %get3A_156] : memref<32x4096xi32, #tpu.memory_space<vmem>>, vector<1x4096xi32>
    %get3A_158 = vector.shape_cast %get3A_157 : vector<1x4096xi32> to vector<4096xi32>
    %gt3A_159 = arith.cmpf ogt, %get3A_154, %select_n3A_149 : vector<4096xf32>
    %eq3A_160 = arith.cmpf oeq, %get3A_154, %select_n3A_149 : vector<4096xf32>
    %lt3A_161 = arith.cmpi slt, %get3A_158, %select_n3A_150 : vector<4096xi32>
    %and3A_162 = arith.andi %eq3A_160, %lt3A_161 : vector<4096xi1>
    %or3A_163 = arith.ori %gt3A_159, %and3A_162 : vector<4096xi1>
    %select_n3A_164 = arith.select %or3A_163, %get3A_154, %select_n3A_149 : vector<4096xi1>, vector<4096xf32>
    %select_n3A_165 = arith.select %or3A_163, %get3A_158, %select_n3A_150 : vector<4096xi1>, vector<4096xi32>
    %get3A_166 = arith.constant 12 : index
    %get3A_167 = arith.constant 0 : index
    %get3A_168 = vector.load %arg0[%get3A_166, %get3A_167] : memref<32x4096xf32, #tpu.memory_space<vmem>>, vector<1x4096xf32>
    %get3A_169 = vector.shape_cast %get3A_168 : vector<1x4096xf32> to vector<4096xf32>
    %get3A_170 = arith.constant 12 : index
    %get3A_171 = arith.constant 0 : index
    %get3A_172 = vector.load %arg1[%get3A_170, %get3A_171] : memref<32x4096xi32, #tpu.memory_space<vmem>>, vector<1x4096xi32>
    %get3A_173 = vector.shape_cast %get3A_172 : vector<1x4096xi32> to vector<4096xi32>
    %gt3A_174 = arith.cmpf ogt, %get3A_169, %select_n3A_164 : vector<4096xf32>
    %eq3A_175 = arith.cmpf oeq, %get3A_169, %select_n3A_164 : vector<4096xf32>
    %lt3A_176 = arith.cmpi slt, %get3A_173, %select_n3A_165 : vector<4096xi32>
    %and3A_177 = arith.andi %eq3A_175, %lt3A_176 : vector<4096xi1>
    %or3A_178 = arith.ori %gt3A_174, %and3A_177 : vector<4096xi1>
    %select_n3A_179 = arith.select %or3A_178, %get3A_169, %select_n3A_164 : vector<4096xi1>, vector<4096xf32>
    %select_n3A_180 = arith.select %or3A_178, %get3A_173, %select_n3A_165 : vector<4096xi1>, vector<4096xi32>
    %get3A_181 = arith.constant 13 : index
    %get3A_182 = arith.constant 0 : index
    %get3A_183 = vector.load %arg0[%get3A_181, %get3A_182] : memref<32x4096xf32, #tpu.memory_space<vmem>>, vector<1x4096xf32>
    %get3A_184 = vector.shape_cast %get3A_183 : vector<1x4096xf32> to vector<4096xf32>
    %get3A_185 = arith.constant 13 : index
    %get3A_186 = arith.constant 0 : index
    %get3A_187 = vector.load %arg1[%get3A_185, %get3A_186] : memref<32x4096xi32, #tpu.memory_space<vmem>>, vector<1x4096xi32>
    %get3A_188 = vector.shape_cast %get3A_187 : vector<1x4096xi32> to vector<4096xi32>
    %gt3A_189 = arith.cmpf ogt, %get3A_184, %select_n3A_179 : vector<4096xf32>
    %eq3A_190 = arith.cmpf oeq, %get3A_184, %select_n3A_179 : vector<4096xf32>
    %lt3A_191 = arith.cmpi slt, %get3A_188, %select_n3A_180 : vector<4096xi32>
    %and3A_192 = arith.andi %eq3A_190, %lt3A_191 : vector<4096xi1>
    %or3A_193 = arith.ori %gt3A_189, %and3A_192 : vector<4096xi1>
    %select_n3A_194 = arith.select %or3A_193, %get3A_184, %select_n3A_179 : vector<4096xi1>, vector<4096xf32>
    %select_n3A_195 = arith.select %or3A_193, %get3A_188, %select_n3A_180 : vector<4096xi1>, vector<4096xi32>
    %get3A_196 = arith.constant 14 : index
    %get3A_197 = arith.constant 0 : index
    %get3A_198 = vector.load %arg0[%get3A_196, %get3A_197] : memref<32x4096xf32, #tpu.memory_space<vmem>>, vector<1x4096xf32>
    %get3A_199 = vector.shape_cast %get3A_198 : vector<1x4096xf32> to vector<4096xf32>
    %get3A_200 = arith.constant 14 : index
    %get3A_201 = arith.constant 0 : index
    %get3A_202 = vector.load %arg1[%get3A_200, %get3A_201] : memref<32x4096xi32, #tpu.memory_space<vmem>>, vector<1x4096xi32>
    %get3A_203 = vector.shape_cast %get3A_202 : vector<1x4096xi32> to vector<4096xi32>
    %gt3A_204 = arith.cmpf ogt, %get3A_199, %select_n3A_194 : vector<4096xf32>
    %eq3A_205 = arith.cmpf oeq, %get3A_199, %select_n3A_194 : vector<4096xf32>
    %lt3A_206 = arith.cmpi slt, %get3A_203, %select_n3A_195 : vector<4096xi32>
    %and3A_207 = arith.andi %eq3A_205, %lt3A_206 : vector<4096xi1>
    %or3A_208 = arith.ori %gt3A_204, %and3A_207 : vector<4096xi1>
    %select_n3A_209 = arith.select %or3A_208, %get3A_199, %select_n3A_194 : vector<4096xi1>, vector<4096xf32>
    %select_n3A_210 = arith.select %or3A_208, %get3A_203, %select_n3A_195 : vector<4096xi1>, vector<4096xi32>
    %get3A_211 = arith.constant 15 : index
    %get3A_212 = arith.constant 0 : index
    %get3A_213 = vector.load %arg0[%get3A_211, %get3A_212] : memref<32x4096xf32, #tpu.memory_space<vmem>>, vector<1x4096xf32>
    %get3A_214 = vector.shape_cast %get3A_213 : vector<1x4096xf32> to vector<4096xf32>
    %get3A_215 = arith.constant 15 : index
    %get3A_216 = arith.constant 0 : index
    %get3A_217 = vector.load %arg1[%get3A_215, %get3A_216] : memref<32x4096xi32, #tpu.memory_space<vmem>>, vector<1x4096xi32>
    %get3A_218 = vector.shape_cast %get3A_217 : vector<1x4096xi32> to vector<4096xi32>
    %gt3A_219 = arith.cmpf ogt, %get3A_214, %select_n3A_209 : vector<4096xf32>
    %eq3A_220 = arith.cmpf oeq, %get3A_214, %select_n3A_209 : vector<4096xf32>
    %lt3A_221 = arith.cmpi slt, %get3A_218, %select_n3A_210 : vector<4096xi32>
    %and3A_222 = arith.andi %eq3A_220, %lt3A_221 : vector<4096xi1>
    %or3A_223 = arith.ori %gt3A_219, %and3A_222 : vector<4096xi1>
    %select_n3A_224 = arith.select %or3A_223, %get3A_214, %select_n3A_209 : vector<4096xi1>, vector<4096xf32>
    %select_n3A_225 = arith.select %or3A_223, %get3A_218, %select_n3A_210 : vector<4096xi1>, vector<4096xi32>
    %get3A_226 = arith.constant 16 : index
    %get3A_227 = arith.constant 0 : index
    %get3A_228 = vector.load %arg0[%get3A_226, %get3A_227] : memref<32x4096xf32, #tpu.memory_space<vmem>>, vector<1x4096xf32>
    %get3A_229 = vector.shape_cast %get3A_228 : vector<1x4096xf32> to vector<4096xf32>
    %get3A_230 = arith.constant 16 : index
    %get3A_231 = arith.constant 0 : index
    %get3A_232 = vector.load %arg1[%get3A_230, %get3A_231] : memref<32x4096xi32, #tpu.memory_space<vmem>>, vector<1x4096xi32>
    %get3A_233 = vector.shape_cast %get3A_232 : vector<1x4096xi32> to vector<4096xi32>
    %gt3A_234 = arith.cmpf ogt, %get3A_229, %select_n3A_224 : vector<4096xf32>
    %eq3A_235 = arith.cmpf oeq, %get3A_229, %select_n3A_224 : vector<4096xf32>
    %lt3A_236 = arith.cmpi slt, %get3A_233, %select_n3A_225 : vector<4096xi32>
    %and3A_237 = arith.andi %eq3A_235, %lt3A_236 : vector<4096xi1>
    %or3A_238 = arith.ori %gt3A_234, %and3A_237 : vector<4096xi1>
    %select_n3A_239 = arith.select %or3A_238, %get3A_229, %select_n3A_224 : vector<4096xi1>, vector<4096xf32>
    %select_n3A_240 = arith.select %or3A_238, %get3A_233, %select_n3A_225 : vector<4096xi1>, vector<4096xi32>
    %get3A_241 = arith.constant 17 : index
    %get3A_242 = arith.constant 0 : index
    %get3A_243 = vector.load %arg0[%get3A_241, %get3A_242] : memref<32x4096xf32, #tpu.memory_space<vmem>>, vector<1x4096xf32>
    %get3A_244 = vector.shape_cast %get3A_243 : vector<1x4096xf32> to vector<4096xf32>
    %get3A_245 = arith.constant 17 : index
    %get3A_246 = arith.constant 0 : index
    %get3A_247 = vector.load %arg1[%get3A_245, %get3A_246] : memref<32x4096xi32, #tpu.memory_space<vmem>>, vector<1x4096xi32>
    %get3A_248 = vector.shape_cast %get3A_247 : vector<1x4096xi32> to vector<4096xi32>
    %gt3A_249 = arith.cmpf ogt, %get3A_244, %select_n3A_239 : vector<4096xf32>
    %eq3A_250 = arith.cmpf oeq, %get3A_244, %select_n3A_239 : vector<4096xf32>
    %lt3A_251 = arith.cmpi slt, %get3A_248, %select_n3A_240 : vector<4096xi32>
    %and3A_252 = arith.andi %eq3A_250, %lt3A_251 : vector<4096xi1>
    %or3A_253 = arith.ori %gt3A_249, %and3A_252 : vector<4096xi1>
    %select_n3A_254 = arith.select %or3A_253, %get3A_244, %select_n3A_239 : vector<4096xi1>, vector<4096xf32>
    %select_n3A_255 = arith.select %or3A_253, %get3A_248, %select_n3A_240 : vector<4096xi1>, vector<4096xi32>
    %get3A_256 = arith.constant 18 : index
    %get3A_257 = arith.constant 0 : index
    %get3A_258 = vector.load %arg0[%get3A_256, %get3A_257] : memref<32x4096xf32, #tpu.memory_space<vmem>>, vector<1x4096xf32>
    %get3A_259 = vector.shape_cast %get3A_258 : vector<1x4096xf32> to vector<4096xf32>
    %get3A_260 = arith.constant 18 : index
    %get3A_261 = arith.constant 0 : index
    %get3A_262 = vector.load %arg1[%get3A_260, %get3A_261] : memref<32x4096xi32, #tpu.memory_space<vmem>>, vector<1x4096xi32>
    %get3A_263 = vector.shape_cast %get3A_262 : vector<1x4096xi32> to vector<4096xi32>
    %gt3A_264 = arith.cmpf ogt, %get3A_259, %select_n3A_254 : vector<4096xf32>
    %eq3A_265 = arith.cmpf oeq, %get3A_259, %select_n3A_254 : vector<4096xf32>
    %lt3A_266 = arith.cmpi slt, %get3A_263, %select_n3A_255 : vector<4096xi32>
    %and3A_267 = arith.andi %eq3A_265, %lt3A_266 : vector<4096xi1>
    %or3A_268 = arith.ori %gt3A_264, %and3A_267 : vector<4096xi1>
    %select_n3A_269 = arith.select %or3A_268, %get3A_259, %select_n3A_254 : vector<4096xi1>, vector<4096xf32>
    %select_n3A_270 = arith.select %or3A_268, %get3A_263, %select_n3A_255 : vector<4096xi1>, vector<4096xi32>
    %get3A_271 = arith.constant 19 : index
    %get3A_272 = arith.constant 0 : index
    %get3A_273 = vector.load %arg0[%get3A_271, %get3A_272] : memref<32x4096xf32, #tpu.memory_space<vmem>>, vector<1x4096xf32>
    %get3A_274 = vector.shape_cast %get3A_273 : vector<1x4096xf32> to vector<4096xf32>
    %get3A_275 = arith.constant 19 : index
    %get3A_276 = arith.constant 0 : index
    %get3A_277 = vector.load %arg1[%get3A_275, %get3A_276] : memref<32x4096xi32, #tpu.memory_space<vmem>>, vector<1x4096xi32>
    %get3A_278 = vector.shape_cast %get3A_277 : vector<1x4096xi32> to vector<4096xi32>
    %gt3A_279 = arith.cmpf ogt, %get3A_274, %select_n3A_269 : vector<4096xf32>
    %eq3A_280 = arith.cmpf oeq, %get3A_274, %select_n3A_269 : vector<4096xf32>
    %lt3A_281 = arith.cmpi slt, %get3A_278, %select_n3A_270 : vector<4096xi32>
    %and3A_282 = arith.andi %eq3A_280, %lt3A_281 : vector<4096xi1>
    %or3A_283 = arith.ori %gt3A_279, %and3A_282 : vector<4096xi1>
    %select_n3A_284 = arith.select %or3A_283, %get3A_274, %select_n3A_269 : vector<4096xi1>, vector<4096xf32>
    %select_n3A_285 = arith.select %or3A_283, %get3A_278, %select_n3A_270 : vector<4096xi1>, vector<4096xi32>
    %get3A_286 = arith.constant 20 : index
    %get3A_287 = arith.constant 0 : index
    %get3A_288 = vector.load %arg0[%get3A_286, %get3A_287] : memref<32x4096xf32, #tpu.memory_space<vmem>>, vector<1x4096xf32>
    %get3A_289 = vector.shape_cast %get3A_288 : vector<1x4096xf32> to vector<4096xf32>
    %get3A_290 = arith.constant 20 : index
    %get3A_291 = arith.constant 0 : index
    %get3A_292 = vector.load %arg1[%get3A_290, %get3A_291] : memref<32x4096xi32, #tpu.memory_space<vmem>>, vector<1x4096xi32>
    %get3A_293 = vector.shape_cast %get3A_292 : vector<1x4096xi32> to vector<4096xi32>
    %gt3A_294 = arith.cmpf ogt, %get3A_289, %select_n3A_284 : vector<4096xf32>
    %eq3A_295 = arith.cmpf oeq, %get3A_289, %select_n3A_284 : vector<4096xf32>
    %lt3A_296 = arith.cmpi slt, %get3A_293, %select_n3A_285 : vector<4096xi32>
    %and3A_297 = arith.andi %eq3A_295, %lt3A_296 : vector<4096xi1>
    %or3A_298 = arith.ori %gt3A_294, %and3A_297 : vector<4096xi1>
    %select_n3A_299 = arith.select %or3A_298, %get3A_289, %select_n3A_284 : vector<4096xi1>, vector<4096xf32>
    %select_n3A_300 = arith.select %or3A_298, %get3A_293, %select_n3A_285 : vector<4096xi1>, vector<4096xi32>
    %get3A_301 = arith.constant 21 : index
    %get3A_302 = arith.constant 0 : index
    %get3A_303 = vector.load %arg0[%get3A_301, %get3A_302] : memref<32x4096xf32, #tpu.memory_space<vmem>>, vector<1x4096xf32>
    %get3A_304 = vector.shape_cast %get3A_303 : vector<1x4096xf32> to vector<4096xf32>
    %get3A_305 = arith.constant 21 : index
    %get3A_306 = arith.constant 0 : index
    %get3A_307 = vector.load %arg1[%get3A_305, %get3A_306] : memref<32x4096xi32, #tpu.memory_space<vmem>>, vector<1x4096xi32>
    %get3A_308 = vector.shape_cast %get3A_307 : vector<1x4096xi32> to vector<4096xi32>
    %gt3A_309 = arith.cmpf ogt, %get3A_304, %select_n3A_299 : vector<4096xf32>
    %eq3A_310 = arith.cmpf oeq, %get3A_304, %select_n3A_299 : vector<4096xf32>
    %lt3A_311 = arith.cmpi slt, %get3A_308, %select_n3A_300 : vector<4096xi32>
    %and3A_312 = arith.andi %eq3A_310, %lt3A_311 : vector<4096xi1>
    %or3A_313 = arith.ori %gt3A_309, %and3A_312 : vector<4096xi1>
    %select_n3A_314 = arith.select %or3A_313, %get3A_304, %select_n3A_299 : vector<4096xi1>, vector<4096xf32>
    %select_n3A_315 = arith.select %or3A_313, %get3A_308, %select_n3A_300 : vector<4096xi1>, vector<4096xi32>
    %get3A_316 = arith.constant 22 : index
    %get3A_317 = arith.constant 0 : index
    %get3A_318 = vector.load %arg0[%get3A_316, %get3A_317] : memref<32x4096xf32, #tpu.memory_space<vmem>>, vector<1x4096xf32>
    %get3A_319 = vector.shape_cast %get3A_318 : vector<1x4096xf32> to vector<4096xf32>
    %get3A_320 = arith.constant 22 : index
    %get3A_321 = arith.constant 0 : index
    %get3A_322 = vector.load %arg1[%get3A_320, %get3A_321] : memref<32x4096xi32, #tpu.memory_space<vmem>>, vector<1x4096xi32>
    %get3A_323 = vector.shape_cast %get3A_322 : vector<1x4096xi32> to vector<4096xi32>
    %gt3A_324 = arith.cmpf ogt, %get3A_319, %select_n3A_314 : vector<4096xf32>
    %eq3A_325 = arith.cmpf oeq, %get3A_319, %select_n3A_314 : vector<4096xf32>
    %lt3A_326 = arith.cmpi slt, %get3A_323, %select_n3A_315 : vector<4096xi32>
    %and3A_327 = arith.andi %eq3A_325, %lt3A_326 : vector<4096xi1>
    %or3A_328 = arith.ori %gt3A_324, %and3A_327 : vector<4096xi1>
    %select_n3A_329 = arith.select %or3A_328, %get3A_319, %select_n3A_314 : vector<4096xi1>, vector<4096xf32>
    %select_n3A_330 = arith.select %or3A_328, %get3A_323, %select_n3A_315 : vector<4096xi1>, vector<4096xi32>
    %get3A_331 = arith.constant 23 : index
    %get3A_332 = arith.constant 0 : index
    %get3A_333 = vector.load %arg0[%get3A_331, %get3A_332] : memref<32x4096xf32, #tpu.memory_space<vmem>>, vector<1x4096xf32>
    %get3A_334 = vector.shape_cast %get3A_333 : vector<1x4096xf32> to vector<4096xf32>
    %get3A_335 = arith.constant 23 : index
    %get3A_336 = arith.constant 0 : index
    %get3A_337 = vector.load %arg1[%get3A_335, %get3A_336] : memref<32x4096xi32, #tpu.memory_space<vmem>>, vector<1x4096xi32>
    %get3A_338 = vector.shape_cast %get3A_337 : vector<1x4096xi32> to vector<4096xi32>
    %gt3A_339 = arith.cmpf ogt, %get3A_334, %select_n3A_329 : vector<4096xf32>
    %eq3A_340 = arith.cmpf oeq, %get3A_334, %select_n3A_329 : vector<4096xf32>
    %lt3A_341 = arith.cmpi slt, %get3A_338, %select_n3A_330 : vector<4096xi32>
    %and3A_342 = arith.andi %eq3A_340, %lt3A_341 : vector<4096xi1>
    %or3A_343 = arith.ori %gt3A_339, %and3A_342 : vector<4096xi1>
    %select_n3A_344 = arith.select %or3A_343, %get3A_334, %select_n3A_329 : vector<4096xi1>, vector<4096xf32>
    %select_n3A_345 = arith.select %or3A_343, %get3A_338, %select_n3A_330 : vector<4096xi1>, vector<4096xi32>
    %get3A_346 = arith.constant 24 : index
    %get3A_347 = arith.constant 0 : index
    %get3A_348 = vector.load %arg0[%get3A_346, %get3A_347] : memref<32x4096xf32, #tpu.memory_space<vmem>>, vector<1x4096xf32>
    %get3A_349 = vector.shape_cast %get3A_348 : vector<1x4096xf32> to vector<4096xf32>
    %get3A_350 = arith.constant 24 : index
    %get3A_351 = arith.constant 0 : index
    %get3A_352 = vector.load %arg1[%get3A_350, %get3A_351] : memref<32x4096xi32, #tpu.memory_space<vmem>>, vector<1x4096xi32>
    %get3A_353 = vector.shape_cast %get3A_352 : vector<1x4096xi32> to vector<4096xi32>
    %gt3A_354 = arith.cmpf ogt, %get3A_349, %select_n3A_344 : vector<4096xf32>
    %eq3A_355 = arith.cmpf oeq, %get3A_349, %select_n3A_344 : vector<4096xf32>
    %lt3A_356 = arith.cmpi slt, %get3A_353, %select_n3A_345 : vector<4096xi32>
    %and3A_357 = arith.andi %eq3A_355, %lt3A_356 : vector<4096xi1>
    %or3A_358 = arith.ori %gt3A_354, %and3A_357 : vector<4096xi1>
    %select_n3A_359 = arith.select %or3A_358, %get3A_349, %select_n3A_344 : vector<4096xi1>, vector<4096xf32>
    %select_n3A_360 = arith.select %or3A_358, %get3A_353, %select_n3A_345 : vector<4096xi1>, vector<4096xi32>
    %get3A_361 = arith.constant 25 : index
    %get3A_362 = arith.constant 0 : index
    %get3A_363 = vector.load %arg0[%get3A_361, %get3A_362] : memref<32x4096xf32, #tpu.memory_space<vmem>>, vector<1x4096xf32>
    %get3A_364 = vector.shape_cast %get3A_363 : vector<1x4096xf32> to vector<4096xf32>
    %get3A_365 = arith.constant 25 : index
    %get3A_366 = arith.constant 0 : index
    %get3A_367 = vector.load %arg1[%get3A_365, %get3A_366] : memref<32x4096xi32, #tpu.memory_space<vmem>>, vector<1x4096xi32>
    %get3A_368 = vector.shape_cast %get3A_367 : vector<1x4096xi32> to vector<4096xi32>
    %gt3A_369 = arith.cmpf ogt, %get3A_364, %select_n3A_359 : vector<4096xf32>
    %eq3A_370 = arith.cmpf oeq, %get3A_364, %select_n3A_359 : vector<4096xf32>
    %lt3A_371 = arith.cmpi slt, %get3A_368, %select_n3A_360 : vector<4096xi32>
    %and3A_372 = arith.andi %eq3A_370, %lt3A_371 : vector<4096xi1>
    %or3A_373 = arith.ori %gt3A_369, %and3A_372 : vector<4096xi1>
    %select_n3A_374 = arith.select %or3A_373, %get3A_364, %select_n3A_359 : vector<4096xi1>, vector<4096xf32>
    %select_n3A_375 = arith.select %or3A_373, %get3A_368, %select_n3A_360 : vector<4096xi1>, vector<4096xi32>
    %get3A_376 = arith.constant 26 : index
    %get3A_377 = arith.constant 0 : index
    %get3A_378 = vector.load %arg0[%get3A_376, %get3A_377] : memref<32x4096xf32, #tpu.memory_space<vmem>>, vector<1x4096xf32>
    %get3A_379 = vector.shape_cast %get3A_378 : vector<1x4096xf32> to vector<4096xf32>
    %get3A_380 = arith.constant 26 : index
    %get3A_381 = arith.constant 0 : index
    %get3A_382 = vector.load %arg1[%get3A_380, %get3A_381] : memref<32x4096xi32, #tpu.memory_space<vmem>>, vector<1x4096xi32>
    %get3A_383 = vector.shape_cast %get3A_382 : vector<1x4096xi32> to vector<4096xi32>
    %gt3A_384 = arith.cmpf ogt, %get3A_379, %select_n3A_374 : vector<4096xf32>
    %eq3A_385 = arith.cmpf oeq, %get3A_379, %select_n3A_374 : vector<4096xf32>
    %lt3A_386 = arith.cmpi slt, %get3A_383, %select_n3A_375 : vector<4096xi32>
    %and3A_387 = arith.andi %eq3A_385, %lt3A_386 : vector<4096xi1>
    %or3A_388 = arith.ori %gt3A_384, %and3A_387 : vector<4096xi1>
    %select_n3A_389 = arith.select %or3A_388, %get3A_379, %select_n3A_374 : vector<4096xi1>, vector<4096xf32>
    %select_n3A_390 = arith.select %or3A_388, %get3A_383, %select_n3A_375 : vector<4096xi1>, vector<4096xi32>
    %get3A_391 = arith.constant 27 : index
    %get3A_392 = arith.constant 0 : index
    %get3A_393 = vector.load %arg0[%get3A_391, %get3A_392] : memref<32x4096xf32, #tpu.memory_space<vmem>>, vector<1x4096xf32>
    %get3A_394 = vector.shape_cast %get3A_393 : vector<1x4096xf32> to vector<4096xf32>
    %get3A_395 = arith.constant 27 : index
    %get3A_396 = arith.constant 0 : index
    %get3A_397 = vector.load %arg1[%get3A_395, %get3A_396] : memref<32x4096xi32, #tpu.memory_space<vmem>>, vector<1x4096xi32>
    %get3A_398 = vector.shape_cast %get3A_397 : vector<1x4096xi32> to vector<4096xi32>
    %gt3A_399 = arith.cmpf ogt, %get3A_394, %select_n3A_389 : vector<4096xf32>
    %eq3A_400 = arith.cmpf oeq, %get3A_394, %select_n3A_389 : vector<4096xf32>
    %lt3A_401 = arith.cmpi slt, %get3A_398, %select_n3A_390 : vector<4096xi32>
    %and3A_402 = arith.andi %eq3A_400, %lt3A_401 : vector<4096xi1>
    %or3A_403 = arith.ori %gt3A_399, %and3A_402 : vector<4096xi1>
    %select_n3A_404 = arith.select %or3A_403, %get3A_394, %select_n3A_389 : vector<4096xi1>, vector<4096xf32>
    %select_n3A_405 = arith.select %or3A_403, %get3A_398, %select_n3A_390 : vector<4096xi1>, vector<4096xi32>
    %get3A_406 = arith.constant 28 : index
    %get3A_407 = arith.constant 0 : index
    %get3A_408 = vector.load %arg0[%get3A_406, %get3A_407] : memref<32x4096xf32, #tpu.memory_space<vmem>>, vector<1x4096xf32>
    %get3A_409 = vector.shape_cast %get3A_408 : vector<1x4096xf32> to vector<4096xf32>
    %get3A_410 = arith.constant 28 : index
    %get3A_411 = arith.constant 0 : index
    %get3A_412 = vector.load %arg1[%get3A_410, %get3A_411] : memref<32x4096xi32, #tpu.memory_space<vmem>>, vector<1x4096xi32>
    %get3A_413 = vector.shape_cast %get3A_412 : vector<1x4096xi32> to vector<4096xi32>
    %gt3A_414 = arith.cmpf ogt, %get3A_409, %select_n3A_404 : vector<4096xf32>
    %eq3A_415 = arith.cmpf oeq, %get3A_409, %select_n3A_404 : vector<4096xf32>
    %lt3A_416 = arith.cmpi slt, %get3A_413, %select_n3A_405 : vector<4096xi32>
    %and3A_417 = arith.andi %eq3A_415, %lt3A_416 : vector<4096xi1>
    %or3A_418 = arith.ori %gt3A_414, %and3A_417 : vector<4096xi1>
    %select_n3A_419 = arith.select %or3A_418, %get3A_409, %select_n3A_404 : vector<4096xi1>, vector<4096xf32>
    %select_n3A_420 = arith.select %or3A_418, %get3A_413, %select_n3A_405 : vector<4096xi1>, vector<4096xi32>
    %get3A_421 = arith.constant 29 : index
    %get3A_422 = arith.constant 0 : index
    %get3A_423 = vector.load %arg0[%get3A_421, %get3A_422] : memref<32x4096xf32, #tpu.memory_space<vmem>>, vector<1x4096xf32>
    %get3A_424 = vector.shape_cast %get3A_423 : vector<1x4096xf32> to vector<4096xf32>
    %get3A_425 = arith.constant 29 : index
    %get3A_426 = arith.constant 0 : index
    %get3A_427 = vector.load %arg1[%get3A_425, %get3A_426] : memref<32x4096xi32, #tpu.memory_space<vmem>>, vector<1x4096xi32>
    %get3A_428 = vector.shape_cast %get3A_427 : vector<1x4096xi32> to vector<4096xi32>
    %gt3A_429 = arith.cmpf ogt, %get3A_424, %select_n3A_419 : vector<4096xf32>
    %eq3A_430 = arith.cmpf oeq, %get3A_424, %select_n3A_419 : vector<4096xf32>
    %lt3A_431 = arith.cmpi slt, %get3A_428, %select_n3A_420 : vector<4096xi32>
    %and3A_432 = arith.andi %eq3A_430, %lt3A_431 : vector<4096xi1>
    %or3A_433 = arith.ori %gt3A_429, %and3A_432 : vector<4096xi1>
    %select_n3A_434 = arith.select %or3A_433, %get3A_424, %select_n3A_419 : vector<4096xi1>, vector<4096xf32>
    %select_n3A_435 = arith.select %or3A_433, %get3A_428, %select_n3A_420 : vector<4096xi1>, vector<4096xi32>
    %get3A_436 = arith.constant 30 : index
    %get3A_437 = arith.constant 0 : index
    %get3A_438 = vector.load %arg0[%get3A_436, %get3A_437] : memref<32x4096xf32, #tpu.memory_space<vmem>>, vector<1x4096xf32>
    %get3A_439 = vector.shape_cast %get3A_438 : vector<1x4096xf32> to vector<4096xf32>
    %get3A_440 = arith.constant 30 : index
    %get3A_441 = arith.constant 0 : index
    %get3A_442 = vector.load %arg1[%get3A_440, %get3A_441] : memref<32x4096xi32, #tpu.memory_space<vmem>>, vector<1x4096xi32>
    %get3A_443 = vector.shape_cast %get3A_442 : vector<1x4096xi32> to vector<4096xi32>
    %gt3A_444 = arith.cmpf ogt, %get3A_439, %select_n3A_434 : vector<4096xf32>
    %eq3A_445 = arith.cmpf oeq, %get3A_439, %select_n3A_434 : vector<4096xf32>
    %lt3A_446 = arith.cmpi slt, %get3A_443, %select_n3A_435 : vector<4096xi32>
    %and3A_447 = arith.andi %eq3A_445, %lt3A_446 : vector<4096xi1>
    %or3A_448 = arith.ori %gt3A_444, %and3A_447 : vector<4096xi1>
    %select_n3A_449 = arith.select %or3A_448, %get3A_439, %select_n3A_434 : vector<4096xi1>, vector<4096xf32>
    %select_n3A_450 = arith.select %or3A_448, %get3A_443, %select_n3A_435 : vector<4096xi1>, vector<4096xi32>
    %get3A_451 = arith.constant 31 : index
    %get3A_452 = arith.constant 0 : index
    %get3A_453 = vector.load %arg0[%get3A_451, %get3A_452] : memref<32x4096xf32, #tpu.memory_space<vmem>>, vector<1x4096xf32>
    %get3A_454 = vector.shape_cast %get3A_453 : vector<1x4096xf32> to vector<4096xf32>
    %get3A_455 = arith.constant 31 : index
    %get3A_456 = arith.constant 0 : index
    %get3A_457 = vector.load %arg1[%get3A_455, %get3A_456] : memref<32x4096xi32, #tpu.memory_space<vmem>>, vector<1x4096xi32>
    %get3A_458 = vector.shape_cast %get3A_457 : vector<1x4096xi32> to vector<4096xi32>
    %gt3A_459 = arith.cmpf ogt, %get3A_454, %select_n3A_449 : vector<4096xf32>
    %eq3A_460 = arith.cmpf oeq, %get3A_454, %select_n3A_449 : vector<4096xf32>
    %lt3A_461 = arith.cmpi slt, %get3A_458, %select_n3A_450 : vector<4096xi32>
    %and3A_462 = arith.andi %eq3A_460, %lt3A_461 : vector<4096xi1>
    %or3A_463 = arith.ori %gt3A_459, %and3A_462 : vector<4096xi1>
    %select_n3A_464 = arith.select %or3A_463, %get3A_454, %select_n3A_449 : vector<4096xi1>, vector<4096xf32>
    %select_n3A_465 = arith.select %or3A_463, %get3A_458, %select_n3A_450 : vector<4096xi1>, vector<4096xi32>
    %max3A = arith.constant 0.000000e+00 : f32
    %max3A_466 = vector.broadcast %max3A : f32 to vector<4096xf32>
    %max3A_467 = arith.maximumf %select_n3A_464, %max3A_466 : vector<4096xf32>
    %swap3A = arith.constant 0 : index
    %swap3A_468 = vector.load %arg2[%swap3A] : memref<4096xf32, #tpu.memory_space<vmem>>, vector<4096xf32>
    tpu.vector_store %arg2[%swap3A], %max3A_467 {strides = array<i32>} : memref<4096xf32, #tpu.memory_space<vmem>>, vector<4096xf32>,
    %gt3A_469 = arith.constant 0.000000e+00 : f32
    %gt3A_470 = vector.broadcast %gt3A_469 : f32 to vector<4096xf32>
    %gt3A_471 = arith.cmpf ogt, %select_n3A_464, %gt3A_470 : vector<4096xf32>
    %and3A_472 = arith.constant 4095 : i32
    %and3A_473 = vector.broadcast %and3A_472 : i32 to vector<4096xi32>
    %and3A_474 = arith.andi %select_n3A_465, %and3A_473 : vector<4096xi32>
    %jit3A = arith.constant 0 : i32
    %broadcast_in_dim3A = vector.broadcast %jit3A : i32 to vector<4096xi32>
    %select_n3A_475 = arith.select %gt3A_471, %and3A_474, %broadcast_in_dim3A : vector<4096xi1>, vector<4096xi32>
    %swap3A_476 = arith.constant 0 : index
    %swap3A_477 = vector.load %arg3[%swap3A_476] : memref<4096xi32, #tpu.memory_space<vmem>>, vector<4096xi32>
    tpu.vector_store %arg3[%swap3A_476], %select_n3A_475 {strides = array<i32>} : memref<4096xi32, #tpu.memory_space<vmem>>, vector<4096xi32>,
    return
  }
}

</mosaic_0001>

<sc_bundles>
// kernel: kernel.4.cloned.1.call-start
scs
__scs_entry_jumppad:
0x0: {  	(pc) =	sbr.rel $0x88, $3  }
0x1: {  	(tag) =	ssettag $0x0;
	lr =	simm.s32 $0x1  }
0x2: {  	[smem:$0x3F9E] =	sst lr;
	_ =	strace $0xD0000000  }
0x3: {  	_ = 	snop  }
0x4: {  	_ = 	snop  }
0x5: {  	_ = 	snop  }
0x6: {  	_ = 	snop  }
0x7: {  	_ = 	snop  }
__scs_overlays_trampoline_lowered:
0x8: {  	[smem:$0x3FAD] =	sst s0  }
0x9: {  	[smem:$0x3FAE] =	sst s1  }
0xa: {  	[smem:$0x3FAF] =	sst s2  }
0xb: {  	[smem:$0x3FB0] =	sst s3  }
0xc: {  	[smem:$0x3FB1] =	sst s4  }
0xd: {  	[smem:$0x3FB2] =	sst s5  }
0xe: {  	[smem:$0x3FB3] =	sst s6  }
0xf: {  	[smem:$0x3FB4] =	sst s7  }
0x10: {  	[smem:$0x3FB5] =	sst s8  }
0x11: {  	[smem:$0x3FB6] =	sst s9;
	s0 =	simm.s32 @!p0 $0x0  }
0x12: {  	s1 =	sld [smem:$0x3F9C];
	s0 =	simm.s32 @p0 $0x1  }
0x13: {  	[smem:$0x3FB7] =	sst s0;
	s0 =	simm.s32 @!p1 $0x0  }
0x14: {  	s2 =	sld [smem:$0x3F9B];
	s0 =	simm.s32 @p1 $0x1  }
0x15: {  	[smem:$0x3FB8] =	sst s0;
	s0 =	simm.s32 @!p2 $0x0  }
0x16: {  	s3 =	sld [smem:$0x3FDB];
	s0 =	simm.s32 @p2 $0x1  }
0x17: {  	s4 =	simm.s32 $0x1BF5;
	[smem:$0x3FBA] =	sst s0  }
0x18: {  	s0 =	sld [smem:$0x3F9D];
	_ =	swait.ge [sflag:s4], $0x0  }
0x19: {  	s7 =	sld [smem:$0x3F9E]  }
0x1a: {  	s8 =	sadd.s32 $0xFFFFE003, lr  }
0x1b: {  	s9 =	sadd.s32 $0xFFFFFEF7, lr;
	s5 =	simm.s32 $0xFFFFFFFF;
	p2 =	slt.u32 s8, $0xFFFFF086  }
0x1c: {  	p1 =	slt.u32 s9, $0xF7A;
	s5 =	simm.s32 @!p2 $0x0  }
0x1d: {  	s5 =	simm.s32 @p1 $0x1;
	p0 =	seq.s32 s7, s2  }
0x1e: {  	s7 =	smul.u32 @!p0 $0xF7A, s2;
	p2 =	seq.s32 @!p0 s5, $0x0  }
0x1f: {  	s9 =	smul.u32 $0xF7A, s1;
	s8 =	simm.s32 @!p0 $0x1BF5;
	p2 =	por !p2, p0  }
0x20: {  	[sflag:s8] =	ssyncset.s32 @!p0 $0xFFFFF086;
	s6 =	sadd.s32 @!p0 s3, s7;
	s7 =	simm.s32 @!p0 $0x108  }
0x21: {  	s3 =	sadd.s32 s3, s9;
	s6 =	sadd.s32 @!p0 $0x88, s6;
	s7 =	simm.s32 @p2 $0x1082  }
0x22: {  	[simem:s7], [sflag:s8] =	dma.local @!p0 [hbm:s6], $0xF7A  }
0x23: {  	s9 =	sor.u32 $0xD0000000, s2;
	s6 =	simm.s32 $0x108;
	_ =	swait.ge @!p0 [sflag:s8], $0x0  }
0x24: {  	s3 =	sadd.s32 $0x88, s3;
	s6 =	simm.s32 @!p1 $0x1082;
	[sflag:s4] =	ssyncset.s32 $0xFFFFF086  }
0x25: {  	[simem:s6], [sflag:s4] =	dma.local [hbm:s3], $0xF7A  }
0x26: {  	[smem:$0x3F9E] =	sst s1;
	(tag) =	ssettag s2;
	_ =	strace s9  }
0x27: {  	s1 =	sld [smem:$0x3FAE]  }
0x28: {  	s2 =	sld [smem:$0x3FAF]  }
0x29: {  	s4 =	sld [smem:$0x3FB1]  }
0x2a: {  	p0 =	seq.s32 s5, $0x0;
	s5 =	sld [smem:$0x3FB2]  }
0x2b: {  	s6 =	sld [smem:$0x3FB3]  }
0x2c: {  	s7 =	sld [smem:$0x3FB4]  }
0x2d: {  	s3 =	simm.s32 $0x108;
	s8 =	sld [smem:$0x3FB5]  }
0x2e: {  	s3 =	simm.s32 @!p0 $0x1082;
	s9 =	sld [smem:$0x3FB6]  }
0x2f: {  	lr =	sadd.s32 s0, s3;
	s0 =	sld [smem:$0x3FAD]  }
0x30: {  	s3 =	sld [smem:$0x3FB0]  }
0x31: {  	[smem:$0x3FB9] =	sst s10  }
0x32: {  	s10 =	sld [smem:$0x3FB7];
	_ =	sdelay $0x3  }
0x33: {  	p0 =	seq.s32 s10, $0x1;
	s10 =	sld [smem:$0x3FB9];
	_ =	sdelay $0x3  }
0x34: {  	[smem:$0x3FB9] =	sst s10  }
0x35: {  	s10 =	sld [smem:$0x3FB8];
	_ =	sdelay $0x3  }
0x36: {  	p1 =	seq.s32 s10, $0x1;
	s10 =	sld [smem:$0x3FB9];
	_ =	sdelay $0x3  }
0x37: {  	[smem:$0x3FB9] =	sst s10  }
0x38: {  	s10 =	sld [smem:$0x3FBA]  }
0x39: {  	_ = 	snop;
	(pc) =	sbr.ind lr, $3  }
0x3a: {  	_ = 	snop  }
0x3b: {  	_ = 	snop  }
0x3c: {  	p2 =	seq.s32 s10, $0x1;
	s10 =	sld [smem:$0x3FB9]  }
0x3d: {  	_ =	shalt  }
0x3e: {  	_ =	shalt  }
0x3f: {  	_ =	shalt  }
0x40: {  	_ =	shalt  }
0x41: {  	_ =	shalt  }
0x42: {  	_ =	shalt  }
0x43: {  	_ =	shalt  }
0x44: {  	_ =	shalt  }
0x45: {  	_ =	shalt  }
0x46: {  	_ =	shalt  }
0x47: {  	_ =	shalt  }
0x48: {  	_ =	shalt  }
0x49: {  	_ =	shalt  }
0x4a: {  	_ =	shalt  }
0x4b: {  	_ =	shalt  }
0x4c: {  	_ =	shalt  }
0x4d: {  	_ =	shalt  }
0x4e: {  	_ =	shalt  }
0x4f: {  	_ =	shalt  }
0x50: {  	_ =	shalt  }
0x51: {  	_ =	shalt  }
0x52: {  	_ =	shalt  }
0x53: {  	_ =	shalt  }
0x54: {  	_ =	shalt  }
0x55: {  	_ =	shalt  }
0x56: {  	_ =	shalt  }
0x57: {  	_ =	shalt  }
0x58: {  	_ =	shalt  }
0x59: {  	_ =	shalt  }
0x5a: {  	_ =	shalt  }
0x5b: {  	_ =	shalt  }
0x5c: {  	_ =	shalt  }
0x5d: {  	_ =	shalt  }
0x5e: {  	_ =	shalt  }
0x5f: {  	_ =	shalt  }
0x60: {  	_ =	shalt  }
0x61: {  	_ =	shalt  }
0x62: {  	_ =	shalt  }
0x63: {  	_ =	shalt  }
0x64: {  	_ =	shalt  }
0x65: {  	_ =	shalt  }
0x66: {  	_ =	shalt  }
0x67: {  	_ =	shalt  }
0x68: {  	_ =	shalt  }
0x69: {  	_ =	shalt  }
0x6a: {  	_ =	shalt  }
0x6b: {  	_ =	shalt  }
0x6c: {  	_ =	shalt  }
0x6d: {  	_ =	shalt  }
0x6e: {  	_ =	shalt  }
0x6f: {  	_ =	shalt  }
0x70: {  	_ =	shalt  }
0x71: {  	_ =	shalt  }
0x72: {  	_ =	shalt  }
0x73: {  	_ =	shalt  }
0x74: {  	_ =	shalt  }
0x75: {  	_ =	shalt  }
0x76: {  	_ =	shalt  }
0x77: {  	_ =	shalt  }
0x78: {  	_ =	shalt  }
0x79: {  	_ =	shalt  }
0x7a: {  	_ =	shalt  }
0x7b: {  	_ =	shalt  }
0x7c: {  	_ =	shalt  }
0x7d: {  	_ =	shalt  }
0x7e: {  	_ =	shalt  }
0x7f: {  	_ =	shalt  }
0x80: {  	_ =	shalt  }
0x81: {  	_ =	shalt  }
0x82: {  	_ =	shalt  }
0x83: {  	_ =	shalt  }
0x84: {  	_ =	shalt  }
0x85: {  	_ =	shalt  }
0x86: {  	_ =	shalt  }
0x87: {  	_ =	shalt  }
.Lfunc_end0:
.L_simem_size_0:
called_computation_lowered:
.L_overlay_start_0:
0x88: {  	s2 =	sld [smem:$0x3FD9]  }
0x89: {  	s3 =	sld [smem:$0x3FFE];
	_ =	sdelay $0x1  }
0x8a: {  	s1 =	srdreg.scid  }
0x8b: {  	s0 =	sand.u32 $0x1, s1  }
0x8c: {  	s17 =	sshll.u32 s0, $0xA;
	s2 =	sadd.s32 s3, s2  }
0x8d: {  	s2 =	sadd.s32 s2, s17  }
0x8e: {  	[smem:$0x3FC5] =	sst s2  }
0x8f: {  	_ = 	snop  }
0x90: {  	s2 =	sld [smem:$0x3FC9];
	(tm) =	ssettm $0x1  }
0x91: {  	s18 =	sld [smem:$0x3FFB];
	_ =	sdelay $0x3  }
0x92: {  	_ =	strace s18  }
0x93: {  	s3 =	sld [smem:$0x3FFC];
	_ =	sdelay $0x3  }
0x94: {  	_ =	strace s3  }
0x95: {  	s3 =	sld [smem:$0x3FFD];
	_ =	sdelay $0x3  }
0x96: {  	_ =	strace s3  }
0x97: {  	_ =	strace $0x8FFFFFFF  }
0x98: {  	s19 =	sld [smem:$0x3FDB];
	_ =	sdelay $0x1  }
0x99: {  	s4 =	simm.s32 $_scs_section_size  }
0x9a: {  	s5 =	simm.s32 $_size__tile_overlayer_lowered;
	s6 =	simm.s32 $_tile_overlayer_lowered  }
0x9b: {  	s22 =	simm.s32 $0x1BFF;
	s21 =	sshll.u32 s6, $0x1;
	s3 =	sadd.s32 s4, s19  }
0x9c: {  	s7 =	simm.s32 $0x0;
	s20 =	sshll.u32 s5, $0x1;
	s5 =	sadd.s32 s21, s3  }
0x9d: {  	[timem:s7], [sflag:s22] =	dma.local [hbm:s5], s20  }
0x9e: {  	_ =	swait.ge [sflag:s22], s20  }
0x9f: {  	s4 =	ssub.s32 $0x0, s20;
	[sflag:s22] =	ssyncset.done $0x0  }
0xa0: {  	[sflag:s22] =	ssyncadd.s32 s4;
	_ =	sdelay $0x1  }
0xa1: {  	s23 =	simm.s32 $0x1B8B  }
0xa2: {  	_ =	swait.ge [sflag:s23], $0x1  }
0xa3: {  	[sflag:s23] =	ssyncset.done $0x0  }
0xa4: {  	s25 =	simm.s32 $0x1B8E;
	s24 =	sld [smem:$0x3FFE];
	[sflag:s23] =	ssyncadd.s32 $0xFFFFFFFF  }
0xa5: {  	s26 =	simm.s32 $execute0_lowered;
	[smem:$0x3FD2] =	sst s25  }
0xa6: {  	s5 =	sshll.u32 s26, $0x1;
	_ =	strace $0x80000046;
	[dreg:$0x1] =	wrdreg $0xFFFFFFFF  }
0xa7: {  	s28 =	simm.s32 $_size_execute0_lowered;
	s3 =	sadd.s32 s3, s5;
	[dreg:$0x0] =	wrdreg $0x0  }
0xa8: {  	s5 =	sshll.u32 s28, $0x1;
	[dreg:$0x2] =	wrdreg s3  }
0xa9: {  	[dreg:$0x3] =	wrdreg s5  }
0xaa: {  	[dreg:$0x4] =	wrdreg $0xC0  }
0xab: {  	_ =	task [dreg:s7], $0x5FFFF  }
0xac: {  	[dreg:$0x1] =	wrdreg $0xFFFFFFFF  }
0xad: {  	[dreg:$0x0] =	wrdreg $0x60  }
0xae: {  	[dreg:$0x2] =	wrdreg s2  }
0xaf: {  	[dreg:$0x3] =	wrdreg s24  }
0xb0: {  	[dreg:$0x4] =	wrdreg $0x9  }
0xb1: {  	_ =	task.clear_ibuf [dreg:s7], $0x5FFFF;
	_ =	strace $0x90000046  }
0xb2: {  	s29 =	simm.s32 $0x9;
	_ =	strace $0x80000048  }
0xb3: {  	_ =	swait.ge [sflag:s29], $0x1  }
0xb4: {  	[sflag:s29] =	ssyncadd.s32 $0xFFFFFFFF  }
0xb5: {  	_ =	strace $0x90000048  }
0xb6: {  	_ =	sfence  }
0xb7: {  	s30 =	sld [smem:$0x0];
	_ =	sdelay $0x2  }
0xb8: {  	s31 =	sshll.u32 s1, $0xD;
	s1 =	sshrl.u32 s1, $0x2  }
0xb9: {  	s3 =	sand.u32 $0x4000, s31;
	s1 =	sadd.s32 s1, s30  }
0xba: {  	s0 =	sor.u32 s3, s0;
	s1 =	sshll.u32 s1, $0x11  }
0xbb: {  	s0 =	sor.u32 s1, s0  }
0xbc: {  	s0 =	sadd.s32 $0x8F2B, s0  }
0xbd: {  	[sflag:s0] =	ssyncadd.remote.s32 $0x1  }
0xbe: {  	_ =	sfence.sel $0xFFFF  }
0xbf: {  	[dreg:$0x0] =	wrdreg $0xFFFFFFFF;
	(pc) =	sbr.abs _section_cstart, $3  }
0xc0: {  	[dreg:$0x1] =	wrdreg $0xFFFFFFFF  }
0xc1: {  	_ =	task.clear_ibuf [dreg:s7], $0x2FFFF;
	_ =	strace $0x9FFFFFFF  }
0xc2: {  	(tm) =	ssettm $0x7FFFFFFF  }
0xc3: {  	_ =	shalt  }
tec
execute0_lowered:
.L_overlay_start_1:
0x0: {  	(tag) =	ssettag $0x1  }
0x1: {  	s5 =	rddreg [dreg:$0x0]  }
0x2: {  	s1 =	srdreg.scid;
	s0 =	stileid.u32  }
0x3: {  	s6 =	rddreg [dreg:$0x1];
	s2 =	simm.s32 $0x0;
	s13 =	simm.s32 $0x2  }
0x4: {  	s14 =	simm.s32 $0x5400;
	s15 =	simm.s32 $0x6400;
	s16 =	simm.s32 $0x80  }
0x5: {  	s17 =	simm.s32 $0x400;
	s18 =	simm.s32 $0x3;
	s19 =	simm.s32 $0x0  }
0x6: {  	s3 =	sand.u32 $0x1, s1;
	s4 =	sshll.u32 s0, $0x1;
	s1 =	rddreg [dreg:$0x2]  }
0x7: {  	v0 =	vimm.s32 $0xBA987654;
	v1 =	vimm.s32 $0xE40000;
	[smem:$0x7FF] =	sst s2;
	s7 =	sshll.u32 s0, $0xA;
	s10 =	sor.u32 s3, s4  }
0x8: {  	v2 =	vimm.s32 $0x32100000;
	v0 =	vunpack.c.l.s4.s8 v0;
	v1 =	vunpack.c.l.s2.s4 v1;
	_ =	strace $0x80000047;
	s3 =	ssub.s32 $0x2, s3;
	s4 =	smul.u32 $0x1480, s10  }
0x9: {  	v2 =	vunpack.c.l.s4.s8 v2;
	s8 =	sshll.u32 s10, $0x4;
	s31 =	sshrl.u32 s3, $0x1;
	p0 =	sne.s32 s10, $0x1F  }
0xa: {  	v3 =	vunpack.c.0.s8.s32 v0;
	v4 =	vunpack.c.l.s4.s8 v1;
	s10 =	simm.s32 $0x8;
	s7 =	sor.u32 s7, s8;
	s4 =	smin.u32 s4, $0x27AD8  }
.Ltmp0:
0xb: {  	v6 =	vimm.s32 $0x7060504;
	vm0 =	vcmask $0x3F30;
	v5 =	vunpack.c.0.s8.s32 v2;
	s7 =	sand.u32 $0x3070, s7;
	s4 =	sshrl.u32 s4, $0x3;
	(pc) =	sbr.rel .LBB2_1-.Ltmp0, $4  }
0xc: {  	vm13 =	vcmask $0x3F3C;
	s12 =	ssub.s32 s3, s31;
	v3 =	vand.u32 $0xF, v3;
	v7 =	vunpack.c.0.s8.s32 v4;
	s11 =	sadd.s32 s7, s6;
	s9 =	sadd.s32 s4, s6  }
0xd: {  	v0 =	vimm.f32 $-1.000000000e+00;
	v3 =	vcombine.low v5, v3;
	v5 =	vunpack.c.0.s8.s32 v6;
	s3 =	sadd.s32 s5, s4;
	s5 =	sadd.s32 $0x51EB, s5;
	s6 =	sadd.s32 $0x5DEB, s6  }
0xe: {  	v1 =	vimm.s32 $0xFFFFFF;
	v2 =	vimm.s32 $0xFFFFFFFF;
	s7 =	sadd.s32 $0x5E00, s11;
	s8 =	sadd.s32 $0x9E00, s11;
	s11 =	simm.s32 $0x1508;
	v6 =	vand.u32 $0x3, v7  }
0xf: {  	v4 =	vimm.s32 $0x40000000;
	s4 =	sadd.s32 $0xC00, s9;
	s9 =	smax.u32 s12, $0x1;
	s12 =	simm.s32 $0x1;
	v5 =	vsel vm0, v5, v6;
	v6 =	vimm.s32 $0x0  }
.LBB2_10:
0x10: {  	_ =	sdelay $0x4  }
0x11: {  	[tilespmem:v7+s15+$0x0] =	vst.idx.msk vm0, v8  }
.LBB2_11:
0x12: {  	[hbm4b:s7+s16] =	stream.strided.scatter [tilespmem:s14], [sflag:$0x3], $0x1000, s17, s16, $0x38;
	[tilespmem:$0x7400] =	vst v63  }
0x13: {  	s19 =	sadd.s32 $0x1, s19;
	_ =	swait.ge [sflag:s18], $0x1000  }
0x14: {  	p1 =	sne.s32 s19, s9;
	[sflag:s18] =	ssyncset.done $0x0  }
.Ltmp1:
0x15: {  	[sflag:s18] =	ssyncadd.s32 $0xFFFFF000;
	(pc) =	sbr.rel @!p1 .LBB2_12-.Ltmp1, $4  }
0x16: {  	[hbm4b:s8+s16] =	stream.strided.scatter [tilespmem:s15], [sflag:$0x3], $0x1000, s17, s16, $0x38;
	[tilespmem:$0x7400] =	vst v63  }
0x17: {  	_ =	swait.ge [sflag:s18], $0x1000  }
0x18: {  	[sflag:s18] =	ssyncset.done $0x0  }
0x19: {  	[sflag:s18] =	ssyncadd.s32 $0xFFFFF000  }
.LBB2_1:
0x1a: {  	[tilespmem:$0x0] =	vst v0  }
0x1b: {  	[tilespmem:$0x1500] =	vst v1  }
0x1c: {  	[tilespmem:$0x2A00] =	vst v0  }
0x1d: {  	[tilespmem:$0x3F00] =	vst v1  }
0x1e: {  	[tilespmem:$0x1488] =	vst v0  }
0x1f: {  	[tilespmem:$0x2988] =	vst v2  }
0x20: {  	[tilespmem:s10], [sflag:$0x1] =	stream.linear.gather [hbm4b:s3+s2], $0x1480, $0x38;
	[tilespmem:$0x7400] =	vst v63  }
0x21: {  	_ = 	snop  }
0x22: {  	v7 =	vimm.s32 @!p0 $0xFFFFFF;
	[tilespmem:s11], [sflag:$0x2] =	stream.linear.gather [hbm4b:s4+s2], $0x1480, $0x38;
	[tilespmem:$0x7400] =	vst v63  }
0x23: {  	[tilespmem:$0x2988] =	vst @!p0 v7;
	v7 =	vimm.f32 @!p0 $-1.000000000e+00  }
0x24: {  	[tilespmem:$0x1498] =	vst @!p0 v7;
	v7 =	vimm.s32 @!p0 $0xFFFFFFFF  }
0x25: {  	s20 =	simm.s32 @!p0 $0x0;
	s21 =	simm.s32 @!p0 $0x1488;
	[tilespmem:$0x2998] =	vst @!p0 v7  }
0x26: {  	[tilespmem:s21], [sflag:$0x3] =	stream.linear.gather @!p0 [hbm4b:s5+s20], $0x4, $0x38;
	[tilespmem:$0x7400] =	vst v63  }
0x27: {  	s21 =	simm.s32 @!p0 $0x3  }
0x28: {  	_ =	swait.ge @!p0 [sflag:s21], $0x4  }
0x29: {  	[sflag:s21] =	ssyncset.done @!p0 $0x0  }
0x2a: {  	s22 =	simm.s32 @!p0 $0x2988;
	[sflag:s21] =	ssyncadd.s32 @!p0 $0xFFFFFFFC  }
0x2b: {  	[tilespmem:s22], [sflag:$0x3] =	stream.linear.gather @!p0 [hbm4b:s6+s20], $0x4, $0x38;
	[tilespmem:$0x7400] =	vst v63  }
0x2c: {  	_ =	swait.ge @!p0 [sflag:s21], $0x4  }
0x2d: {  	[sflag:s21] =	ssyncset.done @!p0 $0x0  }
0x2e: {  	s20 =	simm.s32 $0x40;
	[sflag:s21] =	ssyncadd.s32 @!p0 $0xFFFFFFFC;
	s21 =	simm.s32 $0x0  }
.LBB2_2:
0x2f: {  	p1 =	sne.s32 s20, $0x3FC0;
	[tilespmem:s21+$0x5400] =	vst v0;
	s22 =	smov.u32 s20;
	s20 =	sadd.s32 $0x40, s20  }
.Ltmp2:
0x30: {  	[tilespmem:s21+$0x6400] =	vst v4;
	(pc) =	sbr.rel @p1 .LBB2_2-.Ltmp2, $2  }
0x31: {  	_ =	sdelay $0x2  }
0x32: {  	s21 =	sshra.s32 s22, $0x2  }
0x33: {  	[tilespmem:s21+$0x5400] =	vst v0  }
0x34: {  	[tilespmem:s21+$0x6400] =	vst v4  }
0x35: {  	_ =	swait.ge [sflag:s12], $0x1480  }
0x36: {  	[sflag:s12] =	ssyncset.done $0x0  }
0x37: {  	[sflag:s12] =	ssyncadd.s32 $0xFFFFEB80  }
0x38: {  	_ =	swait.ge [sflag:s13], $0x1480  }
0x39: {  	[sflag:s13] =	ssyncset.done $0x0  }
0x3a: {  	s20 =	simm.s32 $0x25;
	[sflag:s13] =	ssyncadd.s32 $0xFFFFEB80  }
0x3b: {  	v11 =	vld [tilespmem:s20+$0xFFFFFFE3]  }
0x3c: {  	v19 =	vld [tilespmem:s20+$0xFFFFFFE2]  }
0x3d: {  	v12 =	vld [tilespmem:s20+$0xFFFFFFE1]  }
0x3e: {  	v20 =	vld [tilespmem:s20+$0xFFFFFFE0]  }
0x3f: {  	v13 =	vld [tilespmem:s20+$0xFFFFFFF3]  }
0x40: {  	v21 =	vld [tilespmem:s20+$0xFFFFFFF2]  }
0x41: {  	v14 =	vld [tilespmem:s20+$0xFFFFFFF1]  }
0x42: {  	v22 =	vld [tilespmem:s20+$0xFFFFFFF0]  }
0x43: {  	v15 =	vld [tilespmem:s20+$0x3]  }
0x44: {  	v23 =	vld [tilespmem:s20+$0x2]  }
0x45: {  	v16 =	vld [tilespmem:s20+$0x1]  }
0x46: {  	v25 =	vld [tilespmem:s20+$0x0]  }
0x47: {  	v17 =	vld [tilespmem:s20+$0x13]  }
0x48: {  	v26 =	vld [tilespmem:s20+$0x12]  }
0x49: {  	v18 =	vld [tilespmem:s20+$0x11]  }
0x4a: {  	s21 =	simm.s32 $0x1525;
	v28 =	vld [tilespmem:s20+$0x10]  }
0x4b: {  	v29 =	vld [tilespmem:s21+$0x13]  }
0x4c: {  	v8 =	vld [tilespmem:s21+$0x14]  }
0x4d: {  	v31 =	vld [tilespmem:s21+$0x3]  }
0x4e: {  	v33 =	vld [tilespmem:s21+$0xFFFFFFF3]  }
0x4f: {  	v34 =	vld [tilespmem:s21+$0xFFFFFFE3]  }
0x50: {  	v9 =	vld [tilespmem:s21+$0xFFFFFFE4]  }
0x51: {  	v24 =	vld [tilespmem:s21+$0xFFFFFFF4]  }
0x52: {  	v27 =	vld [tilespmem:s21+$0x4]  }
0x53: {  	v35 =	vld [tilespmem:s21+$0xFFFFFFE2]  }
0x54: {  	v38 =	vld [tilespmem:s21+$0xFFFFFFE1];
	vm0 =	vgt.f32 v19, v11  }
0x55: {  	v39 =	vld [tilespmem:s21+$0xFFFFFFE0];
	vm8 =	veq.f32 v19, v11;
	vm7 =	veq.f32 v20, v12;
	vm9 =	veq.f32 v21, v13  }
0x56: {  	v40 =	vld [tilespmem:s21+$0xFFFFFFF2];
	vm4 =	veq.f32 v22, v14;
	vm5 =	veq.f32 v23, v15;
	vm6 =	veq.f32 v25, v16  }
0x57: {  	v41 =	vld [tilespmem:s21+$0xFFFFFFF1];
	vm1 =	veq.f32 v26, v17;
	v7 =	vshrl.u32 v29, $0xC;
	vm2 =	veq.f32 v28, v18  }
0x58: {  	v42 =	vld [tilespmem:s21+$0xFFFFFFF0];
	v30 =	vshrl.u32 v8, $0xC;
	v10 =	vshrl.u32 v34, $0xC;
	v32 =	vshrl.u32 v9, $0xC  }
0x59: {  	v43 =	vld [tilespmem:s21+$0x2];
	v8 =	vshrl.u32 v33, $0xC;
	v24 =	vshrl.u32 v24, $0xC;
	v9 =	vshrl.u32 v31, $0xC  }
0x5a: {  	v44 =	vld [tilespmem:s21+$0x1];
	vm11 =	vlt.s32 v39, v38;
	vm3 =	vne.s32 v32, v10;
	vm10 =	vne.s32 v24, v8  }
0x5b: {  	v45 =	vld [tilespmem:s21+$0x0];
	v24 =	vshrl.u32 v27, $0xC;
	v27 =	vimm.s32 $0x0;
	vm3 =	vmor vm3, vm13  }
0x5c: {  	v46 =	vld [tilespmem:s21+$0x12];
	v36 =	vshrl.u32 v35, $0xC;
	vm10 =	vmor vm10, vm13;
	v27 =	vsel vm3, $0xFFFFFFFF, v27  }
0x5d: {  	v47 =	vld [tilespmem:s21+$0x11];
	[tilespmem:$0x1FFE0] =	vst v27;
	v27 =	vsel vm3, $0x1, v6;
	vm3 =	vne.s32 v24, v9;
	v24 =	vimm.s32 $0x0  }
0x5e: {  	v37 =	vshrl.u32 v39, $0xC;
	v49 =	vshrl.u32 v40, $0xC;
	v24 =	vsel vm10, $0xFFFFFFFF, v24  }
0x5f: {  	v50 =	vshrl.u32 v42, $0xC;
	[tilespmem:$0x1FFF0] =	vst v24;
	v24 =	vsel vm10, $0x1, v6;
	vm10 =	vlt.s32 v35, v34  }
0x60: {  	v51 =	vshrl.u32 v43, $0xC;
	vm8 =	vmand vm8, vm10;
	vm10 =	vlt.s32 v40, v33  }
0x61: {  	v52 =	vshrl.u32 v45, $0xC;
	vm9 =	vmand vm9, vm10;
	vm10 =	vlt.s32 v42, v41  }
0x62: {  	v53 =	vshrl.u32 v46, $0xC;
	vm10 =	vmand vm4, vm10;
	vm4 =	vlt.s32 v45, v44  }
0x63: {  	vm7 =	vmand vm7, vm11;
	vm12 =	vmand vm6, vm4;
	vm4 =	vlt.s32 v46, v29  }
0x64: {  	vm14 =	vmor vm3, vm13;
	(xrf0) =	vadd.scan.msk.s32 $0xffff, v27;
	v48 =	vld [tilespmem:s21+$0x10];
	vm1 =	vmand vm1, vm4;
	vm4 =	vne.s32 v30, v7  }
0x65: {  	vm11 =	vlt.s32 v43, v31;
	v27 =	vsel vm14, $0x1, v6;
	(xrf0) =	vadd.scan.msk.s32 $0xffff, v24;
	vm15 =	vmor vm4, vm13  }
0x66: {  	v32 =	vshrl.u32 v47, $0xC;
	vm11 =	vmand vm5, vm11;
	(xrf0) =	vadd.scan.msk.s32 $0xffff, v27;
	v24 =	vsel vm15, $0x1, v6  }
0x67: {  	vm0 =	vmor vm0, vm8;
	vm8 =	vgt.f32 v23, v15;
	v27 =	vshrl.u32 v41, $0xC;
	(xrf0) =	vadd.scan.msk.s32 $0xffff, v24  }
0x68: {  	vm8 =	vmor vm8, vm11;
	vm11 =	vgt.f32 v28, v18;
	vm6 =	vgt.f32 v21, v13  }
0x69: {  	vm6 =	vmor vm6, vm9;
	vm9 =	vgt.f32 v25, v16;
	vm5 =	vlt.s32 v48, v47  }
0x6a: {  	v30, _, _ =	vpop (xrf0);
	vm9 =	vmor vm9, vm12;
	vm2 =	vmand vm2, vm5;
	vm5 =	vgt.f32 v20, v12  }
0x6b: {  	(v2sf) =	vpush v30, $0xF;
	v54 =	vshrl.u32 v48, $0xC;
	v30, _, _ =	vpop (xrf0);
	vm5 =	vmor vm5, vm7  }
0x6c: {  	vm7 =	vgt.f32 v22, v14;
	v24 =	vshrl.u32 v38, $0xC;
	(v2sf) =	vpush v30, $0xF;
	v62, _, _ =	vpop (xrf0)  }
0x6d: {  	v30 =	vshrl.u32 v44, $0xC;
	vm2 =	vmor vm11, vm2;
	(v2sf) =	vpush v62, $0xF;
	v63, _, _ =	vpop (xrf0)  }
0x6e: {  	vm7 =	vmor vm7, vm10;
	vm10 =	vgt.f32 v26, v17;
	(v2sf) =	vpush v63, $0xF  }
0x6f: {  	vm11 =	veq.s32 v37, v24;
	vm1 =	vmor vm10, vm1;
	vm10 =	veq.s32 v36, v10  }
0x70: {  	vm5 =	vmand vm11, vm5;
	vm11 =	veq.s32 v50, v27;
	vm0 =	vmand vm10, vm0  }
0x71: {  	vm10 =	veq.s32 v49, v8;
	vm7 =	vmand vm11, vm7;
	vm11 =	veq.s32 v52, v30  }
0x72: {  	v37 =	vsel vm5, v20, v12;
	v38 =	vsel vm5, v39, v38;
	vm6 =	vmand vm10, vm6  }
0x73: {  	vm10 =	veq.s32 v51, v9;
	vm9 =	vmand vm11, vm9;
	vm11 =	veq.s32 v54, v32  }
0x74: {  	v36 =	vsel vm0, v19, v11;
	v34 =	vsel vm0, v35, v34;
	v39 =	vsel vm7, v22, v14  }
0x75: {  	vm8 =	vmand vm10, vm8;
	vm10 =	veq.s32 v53, v7;
	vm2 =	vmand vm11, vm2  }
0x76: {  	v35 =	vsel vm6, v21, v13;
	v33 =	vsel vm6, v40, v33;
	v40 =	vsel vm7, v42, v41  }
0x77: {  	v21 =	vsel vm9, v25, v16;
	v20 =	vsel vm9, v45, v44;
	vm0 =	veq.f32 v37, v36  }
0x78: {  	vm1 =	vmand vm10, vm1;
	v19 =	vsel vm8, v23, v15;
	v15 =	vsel vm8, v43, v31  }
0x79: {  	v22 =	vsel vm2, v28, v18;
	v18 =	vsel vm2, v48, v47;
	vm2 =	veq.f32 v39, v35  }
0x7a: {  	vm5 =	vlt.s32 v40, v33;
	v16 =	vsel vm1, v26, v17;
	v17 =	vsel vm1, v46, v29;
	s26 =	spop (v2sf)  }
0x7b: {  	vm1 =	vlt.s32 v38, v34;
	vm6 =	veq.f32 v21, v19;
	vm7 =	vlt.s32 v20, v15;
	s23 =	sadd.s32 $0x8, s26;
	s29 =	spop (v2sf)  }
0x7c: {  	vm5 =	vmand vm2, vm5;
	vm0 =	vmand vm0, vm1;
	vm8 =	veq.f32 v22, v16;
	s26 =	sadd.s32 s23, s29;
	s30 =	spop (v2sf)  }
0x7d: {  	s22 =	simm.s32 $0x8;
	vm9 =	vlt.s32 v18, v17;
	vm1 =	vmand vm6, vm7;
	vm7 =	vgt.f32 v37, v36;
	s28 =	sadd.s32 s26, s30;
	s31 =	spop (v2sf)  }
0x7e: {  	s24 =	simm.s32 $0x0;
	s25 =	simm.s32 $0x65;
	vm6 =	vgt.f32 v21, v19;
	vm2 =	vmand vm8, vm9;
	vm8 =	vgt.f32 v39, v35;
	s20 =	sadd.s32 s28, s31  }
.LBB2_4:
0x7f: {  	vm0 =	vmor vm7, vm0;
	vm5 =	vmor vm8, vm5  }
0x80: {  	vm7 =	vgt.f32 v22, v16;
	vm8 =	veq.s32 v24, v10;
	vm1 =	vmor vm6, vm1  }
0x81: {  	vm6 =	veq.s32 v27, v8;
	vm9 =	veq.s32 v32, v7;
	vm2 =	vmor vm7, vm2  }
0x82: {  	vm7 =	veq.s32 v30, v9;
	vm0 =	vmand vm8, vm0;
	vm5 =	vmand vm6, vm5  }
0x83: {  	v11 =	vld [tilespmem:s25+$0xFFFFFFE3];
	vm1 =	vmand vm7, vm1;
	v23 =	vsel vm0, v37, v36;
	v24 =	vsel vm0, v38, v34  }
0x84: {  	v12 =	vld [tilespmem:s25+$0xFFFFFFE2];
	vm0 =	vmand vm9, vm2;
	v25 =	vsel vm5, v39, v35;
	v26 =	vsel vm5, v40, v33  }
0x85: {  	v13 =	vld [tilespmem:s25+$0xFFFFFFE1];
	v19 =	vsel vm1, v21, v19;
	v17 =	vsel vm0, v18, v17;
	v18 =	vperm.xlane v23, v3  }
0x86: {  	v14 =	vld [tilespmem:s25+$0xFFFFFFE0];
	v21 =	vsel vm0, v22, v16;
	v22 =	vperm.xlane v24, v3;
	v27 =	vperm.xlane v25, v3  }
0x87: {  	v20 =	vsel vm1, v20, v15;
	v28 =	vperm.xlane v26, v3;
	v29 =	vperm.xlane v19, v3  }
0x88: {  	v15 =	vimm.s32 $0x0;
	v30 =	vperm.xlane v20, v3;
	v31 =	vperm.xlane v21, v3  }
0x89: {  	v57 =	vperm.xlane v17, v3;
	vm0 =	vgt.f32 v12, v11;
	vm1 =	vlt.s32 v22, v24  }
0x8a: {  	vm2 =	veq.f32 v27, v25;
	vm5 =	vlt.s32 v28, v26;
	v16 =	vshrl.u32 v22, $0xC  }
0x8b: {  	v58 =	vshrl.u32 v28, $0xC;
	v15 =	vsel vm0, $0xFFFFFFFF, v15;
	vm0 =	vgt.f32 v14, v13  }
0x8c: {  	vm6 =	veq.f32 v29, v19;
	vm7 =	vlt.s32 v30, v20;
	vm8 =	veq.f32 v31, v21  }
0x8d: {  	vm9 =	vlt.s32 v57, v17;
	v59 =	vshrl.u32 v30, $0xC;
	[tilespmem:$0x1FF80] =	vst v15;
	v15 =	vimm.s32 $0x0  }
0x8e: {  	v60 =	vshrl.u32 v57, $0xC;
	v15 =	vsel vm0, $0xFFFFFFFF, v15;
	vm0 =	veq.f32 v18, v23  }
0x8f: {  	vm0 =	vmand vm0, vm1;
	vm1 =	vmand vm2, vm5;
	vm2 =	vmand vm6, vm7  }
0x90: {  	vm5 =	vgt.f32 v18, v23;
	vm6 =	vmand vm8, vm9;
	vm7 =	vgt.f32 v27, v25  }
0x91: {  	vm8 =	vgt.f32 v29, v19;
	vm9 =	vgt.f32 v31, v21;
	vm0 =	vmor vm5, vm0  }
0x92: {  	vm1 =	vmor vm7, vm1;
	vm2 =	vmor vm8, vm2;
	vm5 =	veq.s32 v16, v10  }
0x93: {  	vm7 =	veq.s32 v58, v8;
	vm6 =	vmor vm9, vm6;
	vm8 =	veq.s32 v60, v7  }
0x94: {  	vm0 =	vmand vm5, vm0;
	vm5 =	veq.s32 v59, v9;
	vm1 =	vmand vm7, vm1  }
0x95: {  	[tilespmem:$0x1FF90] =	vst v15;
	v15 =	vld [tilespmem:s25+$0xFFFFFFF3];
	vm2 =	vmand vm5, vm2;
	vm5 =	vmand vm8, vm6;
	v61 =	vsel vm0, v18, v23  }
0x96: {  	v16 =	vld [tilespmem:s25+$0xFFFFFFF2];
	v24 =	vsel vm0, v22, v24;
	v27 =	vsel vm1, v27, v25;
	v62 =	vsel vm1, v28, v26  }
0x97: {  	v63 =	vsel vm2, v29, v19;
	v30 =	vsel vm2, v30, v20;
	v48 =	vperm.xlane v61, v5  }
0x98: {  	s21 =	sadd.s32 $0x40, s21;
	v49 =	vsel vm5, v31, v21;
	v50 =	vperm.xlane v24, v5;
	v51 =	vperm.xlane v27, v5  }
0x99: {  	v55 =	vld [tilespmem:s21+$0xFFFFFFF4];
	v32 =	vsel vm5, v57, v17;
	v52 =	vperm.xlane v62, v5;
	v41 =	vperm.xlane v63, v5  }
0x9a: {  	v33 =	vld [tilespmem:s21+$0xFFFFFFF3];
	v17 =	vimm.s32 $0x0;
	v42 =	vperm.xlane v30, v5;
	v43 =	vperm.xlane v49, v5  }
0x9b: {  	v18 =	vld [tilespmem:s25+$0xFFFFFFF0];
	v44 =	vperm.xlane v32, v5;
	vm0 =	vgt.f32 v16, v15;
	vm1 =	vlt.s32 v50, v24  }
0x9c: {  	v22 =	vld [tilespmem:s25+$0x0];
	vm2 =	veq.f32 v51, v27;
	vm5 =	vlt.s32 v52, v62;
	v29 =	vshrl.u32 v50, $0xC  }
0x9d: {  	v23 =	vld [tilespmem:s25+$0x13];
	v31 =	vshrl.u32 v52, $0xC;
	v17 =	vsel vm0, $0xFFFFFFFF, v17;
	vm0 =	veq.f32 v48, v61  }
0x9e: {  	v25 =	vld [tilespmem:s25+$0x12];
	vm6 =	veq.f32 v41, v63;
	vm7 =	vlt.s32 v42, v30;
	vm8 =	veq.f32 v43, v49  }
0x9f: {  	v26 =	vld [tilespmem:s25+$0x11];
	v45 =	vshrl.u32 v42, $0xC;
	v46 =	vshrl.u32 v44, $0xC;
	vm0 =	vmand vm0, vm1  }
0xa0: {  	v28 =	vld [tilespmem:s25+$0x10];
	vm1 =	vmand vm2, vm5;
	vm2 =	vlt.s32 v44, v32;
	vm5 =	vmand vm6, vm7  }
0xa1: {  	v19 =	vld [tilespmem:s25+$0x3];
	vm6 =	vgt.f32 v48, v61;
	vm7 =	vgt.f32 v51, v27;
	vm2 =	vmand vm8, vm2  }
0xa2: {  	v20 =	vld [tilespmem:s25+$0x2];
	vm8 =	vgt.f32 v41, v63;
	vm0 =	vmor vm6, vm0;
	vm1 =	vmor vm7, vm1  }
0xa3: {  	vm7 =	veq.s32 v29, v10;
	vm5 =	vmor vm8, vm5;
	vm8 =	veq.s32 v45, v9;
	v9 =	vld [tilespmem:$0x1FFE0]  }
0xa4: {  	v21 =	vld [tilespmem:s25+$0x1];
	vm9 =	veq.s32 v46, v7;
	vm6 =	vgt.f32 v43, v49;
	vm0 =	vmand vm7, vm0  }
0xa5: {  	[tilespmem:$0x1FFA0] =	vst v17;
	v17 =	vld [tilespmem:s25+$0xFFFFFFF1];
	vm2 =	vmor vm6, vm2;
	vm5 =	vmand vm8, vm5;
	v7 =	vsel vm0, v48, v61  }
0xa6: {  	v29 =	vld [tilespmem:s21+$0x13];
	v24 =	vsel vm0, v50, v24;
	vm0 =	vmand vm9, vm2;
	v10 =	vsel vm5, v41, v63  }
0xa7: {  	vm6 =	veq.s32 v31, v8;
	v31 =	vld [tilespmem:s21+$0x3];
	[tilespmem:s26+$0x2A00] =	vst.msk vm14, v10;
	v10 =	vsel vm0, v43, v49  }
0xa8: {  	v8 =	vld [tilespmem:s21+$0x14];
	[tilespmem:s28+$0x2A00] =	vst.msk vm15, v10;
	vm2 =	vnez.u8 v9  }
0xa9: {  	v10 =	vld [tilespmem:$0x1FFF0];
	[tilespmem:s22+$0x2A00] =	vst.msk vm2, v7  }
0xaa: {  	v54 =	vimm.s32 $0x0;
	vm1 =	vmand vm6, vm1;
	v34 =	vld [tilespmem:s21+$0xFFFFFFE3]  }
0xab: {  	v7 =	vsel vm1, v51, v27;
	v27 =	vsel vm5, v42, v30;
	v30 =	vsel vm0, v44, v32;
	v53 =	vld [tilespmem:s21+$0xFFFFFFE4]  }
0xac: {  	vm4 =	vcmask $0x3F3C;
	v56 =	vimm.s32 $0x0;
	vm12 =	vgt.f32 v25, v23;
	[tilespmem:s28+$0x3F00] =	vst.msk vm15, v30;
	v30 =	vld [tilespmem:s21+$0x4]  }
0xad: {  	vm11 =	vgt.f32 v28, v26;
	vm13 =	veq.f32 v28, v26;
	vm0 =	vgt.f32 v20, v19;
	v38 =	vld [tilespmem:s21+$0xFFFFFFE1]  }
0xae: {  	vm7 =	veq.f32 v16, v15;
	vm9 =	vgt.f32 v22, v21;
	v35 =	vsel vm0, $0xFFFFFFFF, v54;
	[tilespmem:s26+$0x3F00] =	vst.msk vm14, v27;
	v39 =	vld [tilespmem:s21+$0xFFFFFFE0]  }
0xaf: {  	vm6 =	veq.f32 v14, v13;
	vm8 =	veq.f32 v20, v19;
	vm10 =	vgt.f32 v18, v17;
	[tilespmem:$0x1FFB0] =	vst v35;
	v35 =	vld [tilespmem:s21+$0xFFFFFFE2]  }
0xb0: {  	v9 =	vsel vm1, v52, v62;
	vm5 =	veq.f32 v12, v11;
	vm1 =	veq.f32 v18, v17;
	v43 =	vld [tilespmem:s21+$0x2]  }
0xb1: {  	vm15 =	veq.f32 v22, v21;
	vm14 =	veq.f32 v25, v23;
	[tilespmem:s22+$0x3F00] =	vst.msk vm2, v24;
	v45 =	vld [tilespmem:s21+$0x0];
	vm0 =	vnez.u8 v10  }
0xb2: {  	v27 =	vshrl.u32 v8, $0xC;
	v24 =	vshrl.u32 v55, $0xC;
	v46 =	vld [tilespmem:s21+$0x12];
	[tilespmem:s23+$0x2A00] =	vst.msk vm0, v7;
	v7 =	vshrl.u32 v29, $0xC  }
0xb3: {  	v48 =	vld [tilespmem:s21+$0x10];
	[tilespmem:s23+$0x3F00] =	vst.msk vm0, v9;
	v9 =	vshrl.u32 v31, $0xC;
	v10 =	vshrl.u32 v34, $0xC;
	v8 =	vshrl.u32 v53, $0xC  }
0xb4: {  	v58 =	vshrl.u32 v39, $0xC;
	vm2 =	vne.s32 v8, v10;
	v8 =	vshrl.u32 v33, $0xC  }
0xb5: {  	v40 =	vld [tilespmem:s21+$0xFFFFFFF2];
	vm3 =	vlt.s32 v35, v34;
	v57 =	vshrl.u32 v35, $0xC;
	vm0 =	vmor vm2, vm4  }
0xb6: {  	v42 =	vld [tilespmem:s21+$0xFFFFFFF0];
	vm2 =	vne.s32 v24, v8;
	v24 =	vshrl.u32 v30, $0xC;
	v30 =	vimm.s32 $0x0  }
0xb7: {  	v51 =	vshrl.u32 v43, $0xC;
	v52 =	vshrl.u32 v45, $0xC;
	v30 =	vsel vm0, $0xFFFFFFFF, v30  }
0xb8: {  	v61 =	vshrl.u32 v46, $0xC;
	v54 =	vshrl.u32 v48, $0xC;
	[tilespmem:$0x1FFE0] =	vst v30;
	v30 =	vsel vm0, $0x1, v6  }
0xb9: {  	vm0 =	vmor vm2, vm4;
	vm2 =	vne.s32 v24, v9;
	v24 =	vimm.s32 $0x0  }
0xba: {  	v41 =	vld [tilespmem:s21+$0xFFFFFFF1];
	v24 =	vsel vm0, $0xFFFFFFFF, v24;
	(xrf0) =	vadd.scan.msk.s32 $0xffff, v30;
	v30 =	vimm.s32 $0x0;
	v49 =	vshrl.u32 v40, $0xC  }
0xbb: {  	v44 =	vld [tilespmem:s21+$0x1];
	v50 =	vshrl.u32 v42, $0xC;
	[tilespmem:$0x1FFF0] =	vst v24;
	v24 =	vsel vm0, $0x1, v6;
	vm0 =	vmor vm2, vm4  }
0xbc: {  	v47 =	vld [tilespmem:s21+$0x11];
	vm2 =	vne.s32 v27, v7;
	v32 =	vsel vm0, $0xFFFFFFFF, v56;
	v27 =	vsel vm0, $0x1, v6  }
0xbd: {  	vm2 =	vmor vm2, vm4;
	vm4 =	vlt.s32 v39, v38;
	vm0 =	vlt.s32 v40, v33  }
0xbe: {  	(xrf0) =	vadd.scan.msk.s32 $0xffff, v24;
	v30 =	vsel vm2, $0xFFFFFFFF, v30;
	v24 =	vsel vm2, $0x1, v6;
	vm2 =	vmand vm5, vm3  }
0xbf: {  	v53 =	vld [tilespmem:$0x1FF80];
	[tilespmem:$0x1FFC0] =	vst v32;
	vm5 =	vmand vm6, vm4;
	vm6 =	vmand vm7, vm0;
	vm0 =	vlt.s32 v42, v41  }
0xc0: {  	(xrf0) =	vadd.scan.msk.s32 $0xffff, v27;
	v27 =	vshrl.u32 v41, $0xC;
	vm3 =	vlt.s32 v45, v44;
	vm4 =	vlt.s32 v46, v29  }
0xc1: {  	vm7 =	vlt.s32 v48, v47;
	v32 =	vshrl.u32 v47, $0xC;
	(xrf0) =	vadd.scan.msk.s32 $0xffff, v24;
	v24 =	vshrl.u32 v38, $0xC  }
0xc2: {  	vm1 =	vmand vm1, vm0;
	vm0 =	vlt.s32 v43, v31;
	vm3 =	vmand vm15, vm3  }
0xc3: {  	vm4 =	vmand vm14, vm4;
	vm7 =	vmand vm13, vm7;
	vm14 =	veq.s32 v61, v7  }
0xc4: {  	v55 =	vld [tilespmem:$0x1FF90];
	vm15 =	veq.s32 v54, v32;
	vm0 =	vmand vm8, vm0;
	vm8 =	vnez.u8 v53  }
0xc5: {  	v62 =	vld [tilespmem:$0x1FFA0];
	[tilespmem:$0x1FFD0] =	vst v30;
	vm1 =	vmor vm10, vm1;
	vm3 =	vmor vm9, vm3;
	vm4 =	vmor vm12, vm4;
	v30, _, _ =	vpop (xrf0)  }
0xc6: {  	v63 =	vld [tilespmem:$0x1FFB0];
	vm9 =	veq.s32 v58, v24;
	vm7 =	vmor vm11, vm7;
	(v2sf) =	vpush v30, $0xF;
	v30, _, _ =	vpop (xrf0)  }
0xc7: {  	vm10 =	veq.s32 v49, v8;
	vm11 =	veq.s32 v50, v27;
	(v2sf) =	vpush v30, $0xF;
	v59, _, _ =	vpop (xrf0)  }
0xc8: {  	vm12 =	veq.s32 v51, v9;
	vm2 =	vmor vm8, vm2;
	(v2sf) =	vpush v59, $0xF;
	v60, _, _ =	vpop (xrf0)  }
0xc9: {  	vm8 =	vnez.u8 v55;
	vm1 =	vmand vm11, vm1;
	(v2sf) =	vpush v60, $0xF  }
0xca: {  	vm4 =	vmand vm14, vm4;
	vm5 =	vmor vm8, vm5;
	vm8 =	vnez.u8 v62  }
0xcb: {  	vm7 =	vmand vm15, vm7;
	vm6 =	vmor vm8, vm6;
	vm8 =	vnez.u8 v63  }
0xcc: {  	vm5 =	vmand vm9, vm5;
	v30 =	vshrl.u32 v44, $0xC;
	vm0 =	vmor vm8, vm0  }
0xcd: {  	vm8 =	veq.s32 v57, v10;
	vm6 =	vmand vm10, vm6;
	v37 =	vsel vm5, v14, v13  }
0xce: {  	v38 =	vsel vm5, v39, v38;
	v39 =	vsel vm1, v18, v17;
	vm2 =	vmand vm8, vm2  }
0xcf: {  	v17 =	vsel vm4, v46, v29;
	v18 =	vsel vm7, v48, v47;
	v36 =	vsel vm2, v12, v11;
	v11 =	vld [tilespmem:$0x1FFC0]  }
0xd0: {  	vm13 =	veq.s32 v52, v30;
	vm0 =	vmand vm12, vm0;
	v33 =	vsel vm6, v40, v33  }
0xd1: {  	v40 =	vsel vm1, v42, v41;
	vm8 =	vlt.s32 v18, v17;
	vm3 =	vmand vm13, vm3  }
0xd2: {  	v34 =	vsel vm2, v35, v34;
	v35 =	vsel vm6, v16, v15;
	v19 =	vsel vm0, v20, v19  }
0xd3: {  	s24 =	sadd.s32 $0x4, s24;
	v15 =	vsel vm0, v43, v31;
	v16 =	vsel vm4, v25, v23;
	v21 =	vsel vm3, v22, v21  }
0xd4: {  	p1 =	slt.u32 s24, $0x144;
	v20 =	vsel vm3, v45, v44;
	v22 =	vsel vm7, v28, v26;
	vm14 =	vnez.u8 v11;
	v11 =	vld [tilespmem:$0x1FFD0]  }
.Ltmp3:
0xd5: {  	vm0 =	veq.f32 v37, v36;
	vm1 =	vlt.s32 v38, v34;
	vm2 =	veq.f32 v39, v35;
	s26 =	spop (v2sf);
	(pc) =	sbr.rel @p1 .LBB2_4-.Ltmp3, $4  }
0xd6: {  	vm3 =	vlt.s32 v40, v33;
	vm4 =	veq.f32 v21, v19;
	vm6 =	vlt.s32 v20, v15;
	s23 =	sadd.s32 s20, s26;
	s29 =	spop (v2sf)  }
0xd7: {  	vm0 =	vmand vm0, vm1;
	vm7 =	veq.f32 v22, v16;
	vm5 =	vmand vm2, vm3;
	s26 =	sadd.s32 s23, s29;
	s30 =	spop (v2sf)  }
0xd8: {  	vm1 =	vmand vm4, vm6;
	vm2 =	vmand vm7, vm8;
	vm7 =	vgt.f32 v37, v36;
	s28 =	sadd.s32 s26, s30;
	s31 =	spop (v2sf)  }
0xd9: {  	s25 =	sadd.s32 $0x40, s25;
	s22 =	smov.u32 s20;
	vm8 =	vgt.f32 v39, v35;
	vm6 =	vgt.f32 v21, v19;
	vm15 =	vnez.u8 v11;
	s20 =	sadd.s32 s28, s31  }
0xda: {  	vm0 =	vmor vm7, vm0;
	vm3 =	vmor vm8, vm5;
	vm4 =	vgt.f32 v22, v16  }
0xdb: {  	vm5 =	veq.s32 v24, v10;
	vm1 =	vmor vm6, vm1;
	vm9 =	veq.s32 v27, v8  }
0xdc: {  	vm10 =	veq.s32 v30, v9;
	vm11 =	veq.s32 v32, v7;
	vm2 =	vmor vm4, vm2  }
0xdd: {  	vm0 =	vmand vm5, vm0;
	vm3 =	vmand vm9, vm3;
	vm1 =	vmand vm10, vm1  }
0xde: {  	v11 =	vsel vm0, v37, v36;
	v12 =	vsel vm0, v38, v34;
	vm8 =	vmand vm11, vm2  }
0xdf: {  	v13 =	vsel vm3, v39, v35;
	v14 =	vsel vm3, v40, v33;
	v19 =	vsel vm1, v21, v19  }
0xe0: {  	v15 =	vsel vm1, v20, v15;
	v47 =	vperm.xlane v11, v3;
	v48 =	vperm.xlane v12, v3  }
0xe1: {  	v46 =	vsel vm8, v22, v16;
	v49 =	vperm.xlane v13, v3;
	v50 =	vperm.xlane v14, v3  }
0xe2: {  	v61 =	vld [tilespmem:$0x1FFE0];
	v17 =	vsel vm8, v18, v17;
	v23 =	vperm.xlane v19, v3;
	v51 =	vperm.xlane v15, v3  }
0xe3: {  	v25 =	vperm.xlane v46, v3;
	v26 =	vperm.xlane v17, v3  }
0xe4: {  	vm0 =	veq.f32 v47, v11;
	vm1 =	vlt.s32 v48, v12;
	vm2 =	veq.f32 v49, v13  }
0xe5: {  	vm3 =	vlt.s32 v50, v14;
	vm4 =	veq.f32 v23, v19;
	vm9 =	vlt.s32 v51, v15  }
0xe6: {  	v52 =	vshrl.u32 v48, $0xC;
	v28 =	vshrl.u32 v50, $0xC;
	v29 =	vshrl.u32 v51, $0xC  }
0xe7: {  	vm5 =	vnez.u8 v61;
	vm10 =	veq.f32 v25, v46;
	vm11 =	vlt.s32 v26, v17  }
0xe8: {  	vm0 =	vmand vm0, vm1;
	vm1 =	vmand vm2, vm3;
	vm2 =	vmand vm4, vm9  }
0xe9: {  	vm3 =	vgt.f32 v47, v11;
	vm9 =	vgt.f32 v49, v13;
	v53 =	vshrl.u32 v26, $0xC  }
0xea: {  	vm8 =	veq.s32 v52, v10;
	vm4 =	vmand vm10, vm11;
	vm10 =	vgt.f32 v23, v19  }
0xeb: {  	vm11 =	vgt.f32 v25, v46;
	vm0 =	vmor vm3, vm0;
	vm1 =	vmor vm9, vm1  }
0xec: {  	vm9 =	veq.s32 v28, v8;
	vm2 =	vmor vm10, vm2;
	vm4 =	vmor vm11, vm4  }
0xed: {  	vm0 =	vmand vm8, vm0;
	vm10 =	veq.s32 v29, v9;
	vm11 =	veq.s32 v53, v7  }
0xee: {  	vm1 =	vmand vm9, vm1;
	vm2 =	vmand vm10, vm2;
	vm8 =	vmand vm11, vm4  }
0xef: {  	v11 =	vsel vm0, v47, v11;
	v12 =	vsel vm0, v48, v12;
	v14 =	vsel vm1, v50, v14  }
0xf0: {  	v54 =	vsel vm2, v23, v19;
	v55 =	vperm.xlane v11, v5;
	v15 =	vsel vm2, v51, v15  }
0xf1: {  	v16 =	vsel vm8, v25, v46;
	v56 =	vperm.xlane v12, v5;
	v22 =	vperm.xlane v14, v5  }
0xf2: {  	v17 =	vsel vm8, v26, v17;
	v23 =	vperm.xlane v54, v5;
	v24 =	vperm.xlane v15, v5  }
0xf3: {  	v13 =	vsel vm1, v49, v13;
	v25 =	vperm.xlane v16, v5;
	v26 =	vperm.xlane v17, v5  }
0xf4: {  	vm0 =	veq.f32 v55, v11;
	vm1 =	vlt.s32 v56, v12;
	v58 =	vshrl.u32 v56, $0xC  }
0xf5: {  	vm9 =	veq.f32 v23, v54;
	vm10 =	vlt.s32 v24, v15;
	vm11 =	veq.f32 v25, v16  }
0xf6: {  	vm0 =	vmand vm0, vm1;
	vm8 =	vlt.s32 v26, v17;
	v59 =	vshrl.u32 v24, $0xC  }
0xf7: {  	v60 =	vshrl.u32 v26, $0xC;
	vm4 =	vmand vm9, vm10;
	vm1 =	vmand vm11, vm8  }
0xf8: {  	vm9 =	vgt.f32 v55, v11;
	vm10 =	vgt.f32 v23, v54;
	vm11 =	vgt.f32 v25, v16  }
0xf9: {  	vm0 =	vmor vm9, vm0;
	vm9 =	veq.s32 v58, v10;
	vm4 =	vmor vm10, vm4  }
0xfa: {  	vm1 =	vmor vm11, vm1;
	vm10 =	veq.s32 v59, v9;
	vm0 =	vmand vm9, vm0  }
0xfb: {  	vm11 =	veq.s32 v60, v7;
	vm4 =	vmand vm10, vm4;
	v7 =	vsel vm0, v55, v11  }
0xfc: {  	vm1 =	vmand vm11, vm1;
	[tilespmem:s22+$0x2A00] =	vst.msk vm5, v7;
	v7 =	vsel vm4, v23, v54  }
0xfd: {  	v62 =	vshrl.u32 v22, $0xC;
	[tilespmem:s26+$0x2A00] =	vst.msk vm14, v7;
	v7 =	vsel vm1, v25, v16  }
0xfe: {  	vm9 =	veq.s32 v62, v8;
	v8 =	vsel vm1, v26, v17;
	[tilespmem:s28+$0x2A00] =	vst.msk vm15, v7  }
0xff: {  	v7 =	vsel vm4, v24, v15;
	[tilespmem:s28+$0x3F00] =	vst.msk vm15, v8  }
0x100: {  	v57 =	vperm.xlane v13, v5;
	[tilespmem:s26+$0x3F00] =	vst.msk vm14, v7  }
0x101: {  	v63 =	vld [tilespmem:$0x1FFF0]  }
0x102: {  	vm2 =	veq.f32 v57, v13;
	vm3 =	vlt.s32 v22, v14  }
0x103: {  	vm2 =	vmand vm2, vm3;
	vm8 =	vgt.f32 v57, v13  }
0x104: {  	vm2 =	vmor vm8, vm2  }
.Ltmp4:
0x105: {  	vm10 =	vmand vm9, vm2;
	(pc) =	sbr.rel @p0 .LBB2_7-.Ltmp4, $4  }
0x106: {  	v8 =	vsel vm10, v57, v13;
	vm11 =	vnez.u8 v63  }
0x107: {  	v7 =	vsel vm10, v22, v14;
	[tilespmem:s23+$0x2A00] =	vst.msk vm11, v8  }
0x108: {  	v8 =	vsel vm0, v56, v12;
	[tilespmem:s23+$0x3F00] =	vst.msk vm11, v7  }
0x109: {  	vm13 =	vcmask $0x3F3C;
	[tilespmem:s22+$0x3F00] =	vst.msk vm5, v8  }
0x10a: {  	v7 =	vld [tilespmem:$0x1488]  }
0x10b: {  	v8 =	vld [tilespmem:$0x2988]  }
0x10c: {  	v9 =	vld [tilespmem:$0x1487]  }
0x10d: {  	v10 =	vld [tilespmem:$0x2987]  }
0x10e: {  	v11 =	vld [tilespmem:$0x1486]  }
0x10f: {  	v12 =	vld [tilespmem:$0x2986]  }
0x110: {  	v13 =	vld [tilespmem:$0x2989]  }
0x111: {  	v14 =	vld [tilespmem:$0x1485]  }
0x112: {  	v15 =	vld [tilespmem:$0x2985];
	_ =	sdelay $0x1  }
0x113: {  	v16 =	vshrl.u32 v8, $0xC  }
0x114: {  	vm0 =	veq.f32 v9, v7;
	vm1 =	vlt.s32 v10, v8;
	v17 =	vshrl.u32 v10, $0xC  }
0x115: {  	vm2 =	vgt.f32 v9, v7;
	v13 =	vshrl.u32 v13, $0xC;
	v52 =	vshrl.u32 v12, $0xC  }
0x116: {  	v53 =	vshrl.u32 v15, $0xC;
	vm10 =	veq.f32 v14, v11;
	vm0 =	vmand vm0, vm1  }
0x117: {  	vm8 =	veq.s32 v17, v16;
	vm9 =	vne.s32 v13, v16;
	vm0 =	vmor vm2, vm0  }
0x118: {  	vm3 =	vlt.s32 v15, v12;
	vm1 =	vmand vm8, vm0;
	vm0 =	vmor vm9, vm13  }
0x119: {  	vm11 =	vgt.f32 v14, v11;
	vm2 =	vmand vm10, vm3;
	v54 =	vsel vm0, $0x1, v6  }
0x11a: {  	vm6 =	veq.s32 v53, v52;
	vm2 =	vmor vm11, vm2;
	(xrf0) =	vadd.scan.msk.s32 $0xffff, v54  }
0x11b: {  	v7 =	vsel vm1, v9, v7;
	vm2 =	vmand vm6, vm2  }
0x11c: {  	v8 =	vsel vm1, v10, v8;
	v55 =	vsel vm2, v14, v11;
	v56 =	vsel vm2, v15, v12  }
0x11d: {  	vm7 =	veq.f32 v55, v7;
	vm2 =	vlt.s32 v56, v8  }
0x11e: {  	vm8 =	vgt.f32 v55, v7;
	vm1 =	vmand vm7, vm2  }
0x11f: {  	vm9 =	veq.s32 v52, v16;
	vm1 =	vmor vm8, vm1  }
0x120: {  	vm1 =	vmand vm9, vm1;
	v57, _, _ =	vpop (xrf0)  }
0x121: {  	v7 =	vsel vm1, v55, v7;
	v8 =	vsel vm1, v56, v8;
	(v2sf) =	vpush v57, $0xF  }
0x122: {  	v58 =	vperm.xlane v7, v3;
	v59 =	vperm.xlane v8, v3;
	_ =	sdelay $0x1  }
0x123: {  	vm10 =	veq.f32 v58, v7;
	vm11 =	vlt.s32 v59, v8  }
0x124: {  	v60 =	vshrl.u32 v59, $0xC;
	vm6 =	vgt.f32 v58, v7;
	vm1 =	vmand vm10, vm11  }
0x125: {  	vm7 =	veq.s32 v60, v16;
	vm1 =	vmor vm6, vm1  }
0x126: {  	vm1 =	vmand vm7, vm1  }
0x127: {  	v7 =	vsel vm1, v58, v7;
	v8 =	vsel vm1, v59, v8  }
0x128: {  	v61 =	vperm.xlane v7, v5;
	v62 =	vperm.xlane v8, v5;
	_ =	sdelay $0x1  }
0x129: {  	vm8 =	veq.f32 v61, v7;
	vm9 =	vlt.s32 v62, v8  }
0x12a: {  	v63 =	vshrl.u32 v62, $0xC;
	vm10 =	vgt.f32 v61, v7;
	vm1 =	vmand vm8, vm9  }
0x12b: {  	vm11 =	veq.s32 v63, v16;
	vm1 =	vmor vm10, vm1  }
0x12c: {  	vm1 =	vmand vm11, vm1  }
0x12d: {  	v7 =	vsel vm1, v61, v7  }
0x12e: {  	v8 =	vsel vm1, v62, v8;
	[tilespmem:s20+$0x2A00] =	vst.msk vm0, v7;
	s21 =	spop (v2sf)  }
0x12f: {  	[tilespmem:s20+$0x3F00] =	vst.msk vm0, v8;
	s20 =	sadd.s32 s20, s21  }
.LBB2_7:
0x130: {  	s21 =	sadd.s32 $0x7, s20  }
0x131: {  	s22 =	sand.u32 $0xF, s21  }
0x132: {  	s31 =	sshra.s32 s21, $0x1F;
	p2 =	slt.s32 s21, $0x1;
	p1 =	sne.s32 s22, $0x0  }
0x133: {  	s22 =	sshrl.u32 s31, $0x1C;
	p1 =	por !p2, !p1  }
0x134: {  	s21 =	sadd.s32 s22, s21;
	s22 =	simm.s32 $0x1;
	p1 =	por !p1, !p1  }
0x135: {  	s21 =	sshra.s32 s21, $0x4;
	s22 =	simm.s32 @!p1 $0x0  }
0x136: {  	s22 =	ssub.s32 s21, s22  }
0x137: {  	p1 =	slt.s32 s22, $0x1  }
.Ltmp5:
0x138: {  	_ = 	snop;
	(pc) =	sbr.rel @p1 .LBB2_11-.Ltmp5, $4  }
0x139: {  	[tilespmem:s20+$0x2A00] =	vst v0  }
0x13a: {  	[tilespmem:s20+$0x3F00] =	vst v1  }
0x13b: {  	[tilespmem:s20+$0x2A10] =	vst v0  }
0x13c: {  	[tilespmem:s20+$0x3F10] =	vst v1  }
0x13d: {  	s20 =	simm.s32 $0x2A08  }
0x13e: {  	s21 =	simm.s32 $0x3F09;
	v8 =	vld [tilespmem:s20+$0xFFFFFFFF]  }
0x13f: {  	v9 =	vld [tilespmem:s21+$0xFFFFFFFE]  }
0x140: {  	v10 =	vld [tilespmem:s20+$0x0]  }
0x141: {  	v11 =	vld [tilespmem:s21+$0xFFFFFFFC]  }
0x142: {  	v12 =	vld [tilespmem:s20+$0xFFFFFFFD]  }
0x143: {  	v13 =	vld [tilespmem:s21+$0xFFFFFFFD]  }
0x144: {  	v14 =	vld [tilespmem:s20+$0xFFFFFFFE]  }
0x145: {  	v15 =	vld [tilespmem:s21+$0xFFFFFFFF];
	_ =	sdelay $0x1  }
0x146: {  	vm0 =	vgt.f32 v8, v10;
	vm1 =	veq.f32 v8, v10  }
0x147: {  	v16 =	vshrl.u32 v13, $0xC;
	v17 =	vshrl.u32 v9, $0xC;
	v7 =	vshrl.u32 v11, $0xC  }
0x148: {  	vm2 =	vgt.f32 v12, v14;
	vm3 =	veq.f32 v12, v14;
	vm4 =	vlt.s32 v11, v13  }
0x149: {  	vm5 =	vlt.s32 v9, v15;
	vm6 =	veq.s32 v7, v16;
	vm3 =	vmand vm3, vm4  }
0x14a: {  	v7 =	vshrl.u32 v15, $0xC;
	vm1 =	vmand vm1, vm5;
	vm2 =	vmor vm2, vm3  }
0x14b: {  	vm3 =	veq.s32 v17, v7;
	vm0 =	vmor vm0, vm1;
	vm1 =	vmand vm6, vm2  }
0x14c: {  	vm0 =	vmand vm3, vm0;
	v11 =	vsel vm1, v11, v13  }
0x14d: {  	v8 =	vsel vm0, v8, v10;
	v9 =	vsel vm0, v9, v15;
	v10 =	vsel vm1, v12, v14  }
0x14e: {  	v59 =	vld [tilespmem:s21+$0x0];
	vm0 =	veq.f32 v10, v8;
	vm1 =	vlt.s32 v11, v9  }
0x14f: {  	vm2 =	vgt.f32 v10, v8;
	vm0 =	vmand vm0, vm1  }
0x150: {  	vm1 =	veq.s32 v16, v7;
	vm0 =	vmor vm2, vm0  }
0x151: {  	vm0 =	vmand vm1, vm0  }
0x152: {  	v8 =	vsel vm0, v10, v8;
	v9 =	vsel vm0, v11, v9  }
0x153: {  	v10 =	vshrl.u32 v59, $0xC;
	v11 =	vperm.xlane v8, v3;
	v60 =	vperm.xlane v9, v3  }
0x154: {  	vm0 =	vne.s32 v10, v7  }
0x155: {  	vm0 =	vmor vm0, vm13;
	vm1 =	veq.f32 v11, v8;
	vm2 =	vlt.s32 v60, v9  }
0x156: {  	v10 =	vshrl.u32 v60, $0xC;
	vm3 =	vgt.f32 v11, v8;
	vm1 =	vmand vm1, vm2  }
0x157: {  	vm2 =	veq.s32 v10, v7;
	vm1 =	vmor vm3, vm1  }
0x158: {  	vm1 =	vmand vm2, vm1  }
0x159: {  	v8 =	vsel vm1, v11, v8;
	v9 =	vsel vm1, v60, v9  }
0x15a: {  	v10 =	vperm.xlane v8, v5;
	v11 =	vperm.xlane v9, v5  }
0x15b: {  	v61 =	vld.idx.msk [tilespmem:v7+s15+$0x0], vm0  }
0x15c: {  	v62 =	vld.idx.msk [tilespmem:v7+s14+$0x0], vm0;
	vm1 =	veq.f32 v10, v8;
	vm2 =	vlt.s32 v11, v9  }
0x15d: {  	v63 =	vshrl.u32 v11, $0xC;
	vm3 =	vgt.f32 v10, v8;
	vm1 =	vmand vm1, vm2  }
0x15e: {  	vm2 =	veq.s32 v63, v7;
	vm1 =	vmor vm3, vm1  }
0x15f: {  	vm1 =	vmand vm2, vm1  }
0x160: {  	v10 =	vsel vm1, v10, v8;
	v8 =	vsel vm1, v11, v9  }
0x161: {  	vm1 =	veq.f32 v10, v62;
	vm2 =	vlt.s32 v8, v61  }
0x162: {  	vm3 =	vgt.f32 v10, v62;
	vm1 =	vmand vm1, vm2  }
0x163: {  	vm1 =	vmor vm3, vm1  }
0x164: {  	vm0 =	vmand vm0, vm1  }
0x165: {  	p1 =	sne.s32 s22, $0x1  }
.Ltmp6:
0x166: {  	_ = 	snop;
	(pc) =	sbr.rel @!p1 .LBB2_10-.Ltmp6, $2  }
0x167: {  	_ =	sdelay $0x2  }
0x168: {  	s22 =	sadd.s32 $0xFFFFFFFF, s22;
	[tilespmem:v7+s14+$0x0] =	vst.idx.msk vm0, v10  }
.LBB2_9:
0x169: {  	p1 =	sne.s32 s22, $0x1;
	[tilespmem:v7+s15+$0x0] =	vst.idx.msk vm0, v8;
	s20 =	sadd.s32 $0x10, s20;
	s21 =	sadd.s32 $0x10, s21  }
0x16a: {  	s22 =	sadd.s32 $0xFFFFFFFF, s22;
	v8 =	vld [tilespmem:s20+$0xFFFFFFFF]  }
0x16b: {  	v9 =	vld [tilespmem:s21+$0xFFFFFFFE]  }
0x16c: {  	v10 =	vld [tilespmem:s20+$0x0]  }
0x16d: {  	v11 =	vld [tilespmem:s21+$0xFFFFFFFC]  }
0x16e: {  	v12 =	vld [tilespmem:s20+$0xFFFFFFFD]  }
0x16f: {  	v13 =	vld [tilespmem:s21+$0xFFFFFFFD]  }
0x170: {  	v14 =	vld [tilespmem:s20+$0xFFFFFFFE]  }
0x171: {  	v15 =	vld [tilespmem:s21+$0xFFFFFFFF];
	vm0 =	vgt.f32 v8, v10;
	vm1 =	veq.f32 v8, v10;
	_ =	sdelay $0x1  }
0x172: {  	v16 =	vld [tilespmem:s21+$0x0]  }
0x173: {  	v18 =	vshrl.u32 v9, $0xC;
	v7 =	vshrl.u32 v11, $0xC;
	v17 =	vshrl.u32 v13, $0xC  }
0x174: {  	vm4 =	vlt.s32 v11, v13;
	vm2 =	vgt.f32 v12, v14;
	vm3 =	veq.f32 v12, v14  }
0x175: {  	vm6 =	veq.s32 v7, v17;
	vm5 =	vlt.s32 v9, v15;
	vm3 =	vmand vm3, vm4  }
0x176: {  	v7 =	vshrl.u32 v15, $0xC;
	vm1 =	vmand vm1, vm5;
	vm2 =	vmor vm2, vm3  }
0x177: {  	vm3 =	veq.s32 v18, v7;
	vm0 =	vmor vm0, vm1;
	vm1 =	vmand vm6, vm2  }
0x178: {  	vm0 =	vmand vm3, vm0;
	v11 =	vsel vm1, v11, v13;
	v13 =	vshrl.u32 v16, $0xC  }
0x179: {  	v8 =	vsel vm0, v8, v10;
	v9 =	vsel vm0, v9, v15;
	v10 =	vsel vm1, v12, v14  }
0x17a: {  	vm0 =	vgt.f32 v10, v8;
	vm1 =	veq.f32 v10, v8;
	vm2 =	vlt.s32 v11, v9  }
0x17b: {  	vm1 =	vmand vm1, vm2;
	vm2 =	vne.s32 v13, v7  }
0x17c: {  	vm3 =	veq.s32 v17, v7;
	vm0 =	vmor vm0, vm1  }
0x17d: {  	vm0 =	vmand vm3, vm0  }
0x17e: {  	v8 =	vsel vm0, v10, v8;
	v9 =	vsel vm0, v11, v9  }
0x17f: {  	v10 =	vperm.xlane v8, v3;
	v11 =	vperm.xlane v9, v3  }
0x180: {  	vm0 =	vmor vm2, vm13  }
0x181: {  	v12 =	vshrl.u32 v11, $0xC;
	vm1 =	veq.f32 v10, v8;
	vm2 =	vlt.s32 v11, v9  }
0x182: {  	vm4 =	vgt.f32 v10, v8;
	vm3 =	veq.s32 v12, v7;
	vm1 =	vmand vm1, vm2  }
0x183: {  	vm1 =	vmor vm4, vm1  }
0x184: {  	vm1 =	vmand vm3, vm1  }
0x185: {  	v8 =	vsel vm1, v10, v8;
	v9 =	vsel vm1, v11, v9  }
0x186: {  	v10 =	vperm.xlane v8, v5;
	v11 =	vperm.xlane v9, v5;
	v12 =	vld.idx.msk [tilespmem:v7+s15+$0x0], vm0  }
0x187: {  	v13 =	vld.idx.msk [tilespmem:v7+s14+$0x0], vm0  }
0x188: {  	v14 =	vshrl.u32 v11, $0xC;
	vm1 =	veq.f32 v10, v8;
	vm2 =	vlt.s32 v11, v9  }
0x189: {  	vm4 =	vgt.f32 v10, v8;
	vm3 =	veq.s32 v14, v7;
	vm1 =	vmand vm1, vm2  }
0x18a: {  	vm1 =	vmor vm4, vm1  }
0x18b: {  	vm1 =	vmand vm3, vm1  }
0x18c: {  	v10 =	vsel vm1, v10, v8;
	v8 =	vsel vm1, v11, v9  }
0x18d: {  	vm1 =	veq.f32 v10, v13;
	vm2 =	vlt.s32 v8, v12  }
0x18e: {  	vm3 =	vgt.f32 v10, v13;
	vm1 =	vmand vm1, vm2  }
0x18f: {  	vm1 =	vmor vm3, vm1  }
0x190: {  	vm0 =	vmand vm0, vm1;
	_ =	sdelay $0x1  }
.Ltmp7:
0x191: {  	(pc) =	sbr.rel @p1 .LBB2_9-.Ltmp7, $2  }
0x192: {  	_ =	sdelay $0x2  }
0x193: {  	[tilespmem:v7+s14+$0x0] =	vst.idx.msk vm0, v10  }
.Ltmp8:
0x194: {  	_ = 	snop;
	(pc) =	sbr.rel .LBB2_10-.Ltmp8, $1  }
0x195: {  	_ =	sdelay $0x3  }
.LBB2_12:
0x196: {  	_ =	sfence.sel $0x180000  }
0x197: {  	[bflag:$0x0] =	sbarrier.arrive $0xFFFF  }
0x198: {  	p0 =	sne.s32 s0, $0x0;
	_ =	strace $0x90000047  }
0x199: {  	s0 =	sadd.s32 @!p0 $0x100000, s1;
	[bflag:$0x2] =	sbarrier.arrive $0xFFFF  }
0x19a: {  	[sflag:s0] =	ssyncadd.tile.s32 @!p0 $0x1;
	_ =	shalt  }
.Lfunc_end2:
_tile_overlayer_lowered:
.L_overlay_start_2:
0x19b: {  	(tag) =	ssettag $0x2  }
0x19c: {  	s0 =	rddreg [dreg:$0x0];
	s2 =	stileid.u32  }
0x19d: {  	s1 =	rddreg [dreg:$0x1];
	p0 =	sne.s32 s2, $0x0  }
0x19e: {  	s3 =	rddreg [dreg:$0x2];
	[bflag:$0x3] =	sbarrier.arrive $0xFFFF;
	s2 =	simm.s32 @!p0 $0x1C03  }
0x19f: {  	[timem:s3], [sflag:s2] =	dma.local @!p0 [hbm:s0], s1  }
0x1a0: {  	s0 =	simm.s32 @!p0 $0x3  }
0x1a1: {  	_ =	swait.ge @!p0 [sflag:s0], s1  }
0x1a2: {  	s1 =	ssub.s32 @!p0 $0x0, s1;
	[sflag:s0] =	ssyncset.done @!p0 $0x0  }
0x1a3: {  	[sflag:s0] =	ssyncadd.s32 @!p0 s1  }
0x1a4: {  	[bflag:$0x3] =	sbarrier.arrive $0xFFFF  }
0x1a5: {  	_ =	shalt  }

</sc_bundles>
